<compile_context>
chip_gen: v7x
topology: tpu7x:2x2x1
jax: 0.10.2.dev20260603
libtpu: 0.0.44.dev20260713+nightly
codegen_flags: <defaults>
</compile_context>

<pallas_src>
import jax
import jax.numpy as jnp
from jax import lax
from jax.experimental import pallas as pl
from jax.experimental.pallas import tpu as pltpu
from jax.experimental.pallas import tpu_sc as plsc

N_NODES_K = 100000
DIM_K = 128
LWALK = 21
NIDS = 41
BATCH_K = 1024
LCOEF = 20.0

NCORE = 2
NWORK = NCORE * 16
ROWS_PER = BATCH_K // NWORK


NSLOT = 4


def _sc_body(x_hbm, rw_hbm, den_hbm, num_hbm,
             ids, buf, den_st, num_st, sem0, sem1, sem2, sem3):
    cid = lax.axis_index("c")
    sid = lax.axis_index("s")
    wid = sid * NCORE + cid
    base = wid * ROWS_PER

    pltpu.sync_copy(rw_hbm.at[pl.ds(base, ROWS_PER)], ids)

    lane = lax.iota(jnp.int32, 16)

    sems = (sem0, sem1, sem2, sem3)

    def slot(b):
        return buf.at[pl.ds(b * NIDS, NIDS)]

    for b in range(NSLOT):
        pltpu.make_async_copy(x_hbm.at[ids.at[b]], slot(b), sems[b]).start()

    def process(row, acc):
        b = row % NSLOT
        ofs = b * NIDS

        for bb in range(NSLOT):
            @pl.when(b == bb)
            def _(bb=bb):
                pltpu.make_async_copy(x_hbm.at[ids.at[row]], slot(bb),
                                      sems[bb]).wait()

        svecs = [buf[ofs, pl.ds(16 * t, 16)] for t in range(8)]

        def dot_body(j, dv):
            d0, d1, d2 = dv
            dacc = buf[ofs + j, pl.ds(0, 16)] * svecs[0]
            for t in range(1, 8):
                dacc = dacc + buf[ofs + j, pl.ds(16 * t, 16)] * svecs[t]
            dj = jnp.sum(dacc)
            sel = lane == (j % 16)
            d0 = jnp.where(sel & (j < 16), dj, d0)
            d1 = jnp.where(sel & ((j >= 16) & (j < 32)), dj, d1)
            d2 = jnp.where(sel & (j >= 32), dj, d2)
            return (d0, d1, d2)

        zed16 = jnp.zeros((16,), jnp.float32)
        dvec = list(lax.fori_loop(0, NIDS, dot_body, (zed16, zed16, zed16)))

        w0 = ids[row, pl.ds(0, 16)]
        w1 = ids[row, pl.ds(16, 16)]
        m0 = jnp.zeros((16,), jnp.int32)
        m1 = jnp.zeros((16,), jnp.int32)
        one = jnp.ones((16,), jnp.int32)
        zero = jnp.zeros((16,), jnp.int32)
        for j in range(LWALK):
            src = w0 if j < 16 else w1
            bj = src.at[jnp.full((16,), j % 16, jnp.int32)].get(
                mode="promise_in_bounds")
            m0 = m0 + jnp.where(w0 == bj, one, zero)
            m1 = m1 + jnp.where(w1 == bj, one, zero)

        e0 = jnp.exp(dvec[0])
        e1 = jnp.exp(dvec[1])
        e2 = jnp.exp(dvec[2])
        w1w = jnp.where(lane < (LWALK - 16), 1.0 / m1.astype(jnp.float32),
                        jnp.ones((16,), jnp.float32))
        den_r = (jnp.sum(e0 / m0.astype(jnp.float32))
                 + jnp.sum(e1 * w1w)
                 + jnp.sum(jnp.where(lane < (NIDS - 32), e2,
                                     jnp.zeros((16,), jnp.float32))))
        num_r = (jnp.sum(jnp.where(lane >= 1, dvec[0],
                                   jnp.zeros((16,), jnp.float32)))
                 + jnp.sum(jnp.where(lane < (LWALK - 16), dvec[1],
                                     jnp.zeros((16,), jnp.float32))))
        d_lo, d_hi, n_lo, n_hi = acc
        sel_lo = (lane == (row % 16)) & (row < 16)
        sel_hi = (lane == (row % 16)) & (row >= 16)
        d_lo = jnp.where(sel_lo, den_r, d_lo)
        d_hi = jnp.where(sel_hi, den_r, d_hi)
        n_lo = jnp.where(sel_lo, num_r, n_lo)
        n_hi = jnp.where(sel_hi, num_r, n_hi)

        for bb in range(NSLOT):
            @pl.when((b == bb) & (row < ROWS_PER - NSLOT))
            def _(bb=bb):
                pltpu.make_async_copy(x_hbm.at[ids.at[row + NSLOT]], slot(bb),
                                      sems[bb]).start()

        return (d_lo, d_hi, n_lo, n_hi)

    zed = jnp.zeros((16,), jnp.float32)
    d_lo, d_hi, n_lo, n_hi = lax.fori_loop(
        0, ROWS_PER, process, (zed, zed, zed, zed))
    den_st[pl.ds(0, 16)] = d_lo
    den_st[pl.ds(16, 16)] = d_hi
    num_st[pl.ds(0, 16)] = n_lo
    num_st[pl.ds(16, 16)] = n_hi

    pltpu.sync_copy(den_st, den_hbm.at[pl.ds(base, ROWS_PER)])
    pltpu.sync_copy(num_st, num_hbm.at[pl.ds(base, ROWS_PER)])


@jax.jit
def _sc_dennum(x, rw):
    mesh = plsc.VectorSubcoreMesh(core_axis_name="c", subcore_axis_name="s",
                                  num_cores=NCORE)
    return pl.kernel(
        _sc_body,
        out_type=(jax.ShapeDtypeStruct((BATCH_K,), jnp.float32),
                  jax.ShapeDtypeStruct((BATCH_K,), jnp.float32)),
        mesh=mesh,
        compiler_params=pltpu.CompilerParams(needs_layout_passes=False),
        scratch_types=[
            pltpu.VMEM((ROWS_PER, NIDS), jnp.int32),
            pltpu.VMEM((NSLOT * NIDS, DIM_K), jnp.float32),
            pltpu.VMEM((ROWS_PER,), jnp.float32),
            pltpu.VMEM((ROWS_PER,), jnp.float32),
            pltpu.SemaphoreType.DMA,
            pltpu.SemaphoreType.DMA,
            pltpu.SemaphoreType.DMA,
            pltpu.SemaphoreType.DMA,
        ],
    )(x, rw)


def _tc_body(den_ref, num_ref, out_ref):
    out_ref[0, 0] = (LCOEF * jnp.sum(jnp.log(den_ref[...]))
                     - jnp.sum(num_ref[...])) / float(BATCH_K)


@jax.jit
def _tc_loss(den, num):
    return pl.pallas_call(
        _tc_body,
        out_shape=jax.ShapeDtypeStruct((1, 1), jnp.float32),
        out_specs=pl.BlockSpec(memory_space=pltpu.SMEM),
    )(den.reshape(8, 128), num.reshape(8, 128))


def kernel(rw_batch, X):
    den, num = _sc_dennum(X, rw_batch)
    return _tc_loss(den, num)[0, 0]

# --- scband reference (transcript-rebuilt; emitter-appended) ---
"""Pipeline reference for scband-node2-vec-12824772346469 (READ-ONLY COPY).

The authoritative reference and input builder live on the scoring server;
editing this copy changes nothing except your own understanding.
"""

import jax, jax.numpy as jnp
import numpy as np

N_NODES = 100000
DIM = 128
L = 20
N_NEG = 20
BATCH = 1024


def setup_inputs(seed: int = 0) -> dict:
    key = jax.random.key(seed)
    k1, k2 = jax.random.split(key)
    # kaiming_normal_ on [n_nodes, dim]: fan_in = dim, gain = sqrt(2) -> std = sqrt(2/dim)
    X = jax.random.normal(k1, (N_NODES, DIM), dtype=jnp.float32) * np.sqrt(2.0 / DIM)
    rw_batch = jax.random.randint(k2, (BATCH, L + 1 + N_NEG), 0, N_NODES, dtype=jnp.int32)
    return {"rw_batch": rw_batch, "X": X}


def reference(rw_batch, X):
    # Vectorized, faithful translation of the per-row python loop.
    X_start = X[rw_batch[:, 0]]                      # [B, d] gather
    walk = rw_batch[:, : L + 1]                      # [B, L+1]
    neg = rw_batch[:, L + 1 :]                       # [B, N_NEG]
    X_walk = X[walk]                                 # [B, L+1, d] gather
    X_neg = X[neg]                                   # [B, N_NEG, d] gather
    dots_walk = jnp.einsum("bld,bd->bl", X_walk, X_start)  # [B, L+1]
    dots_neg = jnp.einsum("bnd,bd->bn", X_neg, X_start)    # [B, N_NEG]
    # numerator_term = sum over walk_idx[1:] of <X[w_i], X_start>
    numerator = jnp.sum(dots_walk[:, 1:], axis=-1)   # [B]
    # set(walk_idx) dedup: keep only first occurrence of each node within the walk
    eq = walk[:, :, None] == walk[:, None, :]        # [B, L+1, L+1]
    dup_before = jnp.tril(eq, k=-1).sum(axis=-1)     # count of earlier equal entries
    first_occ = dup_before == 0                      # [B, L+1]
    denom = jnp.sum(jnp.where(first_occ, jnp.exp(dots_walk), 0.0), axis=-1) \
            + jnp.sum(jnp.exp(dots_neg), axis=-1)    # [B]
    per_row_loss = L * jnp.log(denom) - numerator    # [B]
    return jnp.mean(per_row_loss)                    # scalar, == sum_loss / len(rw_batch)

if __name__ == "__main__":
    import jax
    _d = setup_inputs()
    print(jax.jit(kernel)(*tuple(_d.values())))

</pallas_src>

<mosaic_0001>
#map = affine_map<(d0, d1) -> (0, 0)>
#map1 = affine_map<(d0, d1) -> (0)>
module attributes {stable_mosaic.version = 14 : i64} {
  func.func @_sc_body(%arg0: i32, %arg1: i32, %arg2: memref<100000x128xf32, #tpu.memory_space<hbm>>, %arg3: memref<1024x41xi32, #tpu.memory_space<hbm>>, %arg4: memref<1024xf32, #tpu.memory_space<hbm>>, %arg5: memref<1024xf32, #tpu.memory_space<hbm>>, %arg6: memref<32x41xi32, #tpu.memory_space<vmem>>, %arg7: memref<164x128xf32, #tpu.memory_space<vmem>>, %arg8: memref<32xf32, #tpu.memory_space<vmem>>, %arg9: memref<32xf32, #tpu.memory_space<vmem>>, %arg10: memref<!tpu.dma_semaphore, #tpu.memory_space<semaphore_mem>>, %arg11: memref<!tpu.dma_semaphore, #tpu.memory_space<semaphore_mem>>, %arg12: memref<!tpu.dma_semaphore, #tpu.memory_space<semaphore_mem>>, %arg13: memref<!tpu.dma_semaphore, #tpu.memory_space<semaphore_mem>>) attributes {dimension_semantics = [#tpu.dimension_semantics<core_parallel>, #tpu.dimension_semantics<subcore_parallel>], iteration_bounds = array<i64: 2, 16>, scalar_prefetch = 0 : i64, scratch_operands = 8 : i64, tpu.core_type = #tpu.core_type<sc_vector_subcore>, window_params = [{transform_indices = #map}, {transform_indices = #map}, {transform_indices = #map1}, {transform_indices = #map1}]} {
    %mul3A = arith.constant 2 : i32
    %mul3A_0 = arith.muli %arg1, %mul3A : i32
    %add3A = arith.addi %mul3A_0, %arg0 : i32
    %mul3A_1 = arith.constant 32 : i32
    %mul3A_2 = arith.muli %add3A, %mul3A_1 : i32
    "tpu.region"() ({
      %run_scoped3A = tpu.sem_alloc : memref<!tpu.dma_semaphore, #tpu.memory_space<semaphore_mem>>
      %dma_start3A_55 = arith.constant 0 : i32
      %dma_start3A_56 = tpu.memref_slice %arg3[%mul3A_2, %dma_start3A_55] : memref<1024x41xi32, #tpu.memory_space<hbm>> -> memref<32x41xi32, #tpu.memory_space<hbm>>
      %dma_start3A_57 = arith.constant 0 : i32
      %dma_start3A_58 = tpu.memref_slice %arg3[%mul3A_2, %dma_start3A_57] : memref<1024x41xi32, #tpu.memory_space<hbm>> -> memref<32x41xi32, #tpu.memory_space<hbm>>
      tpu.enqueue_dma source(%dma_start3A_58 : memref<32x41xi32, #tpu.memory_space<hbm>>) target(%arg6 : memref<32x41xi32, #tpu.memory_space<vmem>>) target_semaphore(%run_scoped3A : memref<!tpu.dma_semaphore, #tpu.memory_space<semaphore_mem>>)
      %dma_wait3A = arith.constant 0 : i32
      %dma_wait3A_59 = tpu.memref_slice %arg3[%mul3A_2, %dma_wait3A] : memref<1024x41xi32, #tpu.memory_space<hbm>> -> memref<32x41xi32, #tpu.memory_space<hbm>>
      %dma_wait3A_60 = arith.constant 0 : i32
      %dma_wait3A_61 = tpu.memref_slice %arg3[%mul3A_2, %dma_wait3A_60] : memref<1024x41xi32, #tpu.memory_space<hbm>> -> memref<32x41xi32, #tpu.memory_space<hbm>>
      tpu.wait_dma2 semaphore(%run_scoped3A : memref<!tpu.dma_semaphore, #tpu.memory_space<semaphore_mem>>) src(%dma_wait3A_61 : memref<32x41xi32, #tpu.memory_space<hbm>>) dst(%arg6 : memref<32x41xi32, #tpu.memory_space<vmem>>)
      tpu.yield
    }) : () -> ()
    %iota3A = tpu.iota {dimensions = array<i32: 0>} : vector<16xi32>
    %dma_start3A = arith.constant 0 : i32
    %dma_start3A_3 = arith.constant 0 : i32
    %dma_start3A_4 = arith.constant 0 : i32
    %dma_start3A_5 = tpu.memref_slice %arg7[%dma_start3A_3, %dma_start3A_4] : memref<164x128xf32, #tpu.memory_space<vmem>> -> memref<41x128xf32, #tpu.memory_space<vmem>>
    %dma_start3A_6 = arith.constant 0 : i32
    %dma_start3A_7 = tpu.memref_slice %arg6[%dma_start3A, %dma_start3A_6] : memref<32x41xi32, #tpu.memory_space<vmem>> -> memref<1x41xi32, #tpu.memory_space<vmem>>
    %dma_start3A_8 = tpu.memref_squeeze %dma_start3A_7 : memref<1x41xi32, #tpu.memory_space<vmem>> -> memref<41xi32, #tpu.memory_space<vmem>>
    %dma_start3A_9 = arith.constant 0 : i32
    %dma_start3A_10 = arith.constant 0 : i32
    %dma_start3A_11 = tpu.memref_slice %arg2[%dma_start3A_9, %dma_start3A_10] : memref<100000x128xf32, #tpu.memory_space<hbm>> -> memref<100000x128xf32, #tpu.memory_space<hbm>>
    tpu.enqueue_indirect_dma source(%dma_start3A_11 : memref<100000x128xf32, #tpu.memory_space<hbm>>) target(%dma_start3A_5 : memref<41x128xf32, #tpu.memory_space<vmem>>) offsets(%dma_start3A_8 : memref<41xi32, #tpu.memory_space<vmem>>) semaphore(%arg10 : memref<!tpu.dma_semaphore, #tpu.memory_space<semaphore_mem>>)
    %dma_start3A_12 = arith.constant 1 : i32
    %dma_start3A_13 = arith.constant 41 : i32
    %dma_start3A_14 = arith.constant 0 : i32
    %dma_start3A_15 = tpu.memref_slice %arg7[%dma_start3A_13, %dma_start3A_14] : memref<164x128xf32, #tpu.memory_space<vmem>> -> memref<41x128xf32, #tpu.memory_space<vmem>>
    %dma_start3A_16 = arith.constant 0 : i32
    %dma_start3A_17 = tpu.memref_slice %arg6[%dma_start3A_12, %dma_start3A_16] : memref<32x41xi32, #tpu.memory_space<vmem>> -> memref<1x41xi32, #tpu.memory_space<vmem>>
    %dma_start3A_18 = tpu.memref_squeeze %dma_start3A_17 : memref<1x41xi32, #tpu.memory_space<vmem>> -> memref<41xi32, #tpu.memory_space<vmem>>
    %dma_start3A_19 = arith.constant 0 : i32
    %dma_start3A_20 = arith.constant 0 : i32
    %dma_start3A_21 = tpu.memref_slice %arg2[%dma_start3A_19, %dma_start3A_20] : memref<100000x128xf32, #tpu.memory_space<hbm>> -> memref<100000x128xf32, #tpu.memory_space<hbm>>
    tpu.enqueue_indirect_dma source(%dma_start3A_21 : memref<100000x128xf32, #tpu.memory_space<hbm>>) target(%dma_start3A_15 : memref<41x128xf32, #tpu.memory_space<vmem>>) offsets(%dma_start3A_18 : memref<41xi32, #tpu.memory_space<vmem>>) semaphore(%arg11 : memref<!tpu.dma_semaphore, #tpu.memory_space<semaphore_mem>>)
    %dma_start3A_22 = arith.constant 2 : i32
    %dma_start3A_23 = arith.constant 82 : i32
    %dma_start3A_24 = arith.constant 0 : i32
    %dma_start3A_25 = tpu.memref_slice %arg7[%dma_start3A_23, %dma_start3A_24] : memref<164x128xf32, #tpu.memory_space<vmem>> -> memref<41x128xf32, #tpu.memory_space<vmem>>
    %dma_start3A_26 = arith.constant 0 : i32
    %dma_start3A_27 = tpu.memref_slice %arg6[%dma_start3A_22, %dma_start3A_26] : memref<32x41xi32, #tpu.memory_space<vmem>> -> memref<1x41xi32, #tpu.memory_space<vmem>>
    %dma_start3A_28 = tpu.memref_squeeze %dma_start3A_27 : memref<1x41xi32, #tpu.memory_space<vmem>> -> memref<41xi32, #tpu.memory_space<vmem>>
    %dma_start3A_29 = arith.constant 0 : i32
    %dma_start3A_30 = arith.constant 0 : i32
    %dma_start3A_31 = tpu.memref_slice %arg2[%dma_start3A_29, %dma_start3A_30] : memref<100000x128xf32, #tpu.memory_space<hbm>> -> memref<100000x128xf32, #tpu.memory_space<hbm>>
    tpu.enqueue_indirect_dma source(%dma_start3A_31 : memref<100000x128xf32, #tpu.memory_space<hbm>>) target(%dma_start3A_25 : memref<41x128xf32, #tpu.memory_space<vmem>>) offsets(%dma_start3A_28 : memref<41xi32, #tpu.memory_space<vmem>>) semaphore(%arg12 : memref<!tpu.dma_semaphore, #tpu.memory_space<semaphore_mem>>)
    %dma_start3A_32 = arith.constant 3 : i32
    %dma_start3A_33 = arith.constant 123 : i32
    %dma_start3A_34 = arith.constant 0 : i32
    %dma_start3A_35 = tpu.memref_slice %arg7[%dma_start3A_33, %dma_start3A_34] : memref<164x128xf32, #tpu.memory_space<vmem>> -> memref<41x128xf32, #tpu.memory_space<vmem>>
    %dma_start3A_36 = arith.constant 0 : i32
    %dma_start3A_37 = tpu.memref_slice %arg6[%dma_start3A_32, %dma_start3A_36] : memref<32x41xi32, #tpu.memory_space<vmem>> -> memref<1x41xi32, #tpu.memory_space<vmem>>
    %dma_start3A_38 = tpu.memref_squeeze %dma_start3A_37 : memref<1x41xi32, #tpu.memory_space<vmem>> -> memref<41xi32, #tpu.memory_space<vmem>>
    %dma_start3A_39 = arith.constant 0 : i32
    %dma_start3A_40 = arith.constant 0 : i32
    %dma_start3A_41 = tpu.memref_slice %arg2[%dma_start3A_39, %dma_start3A_40] : memref<100000x128xf32, #tpu.memory_space<hbm>> -> memref<100000x128xf32, #tpu.memory_space<hbm>>
    tpu.enqueue_indirect_dma source(%dma_start3A_41 : memref<100000x128xf32, #tpu.memory_space<hbm>>) target(%dma_start3A_35 : memref<41x128xf32, #tpu.memory_space<vmem>>) offsets(%dma_start3A_38 : memref<41xi32, #tpu.memory_space<vmem>>) semaphore(%arg13 : memref<!tpu.dma_semaphore, #tpu.memory_space<semaphore_mem>>)
    %broadcast_in_dim3A = arith.constant 0.000000e+00 : f32
    %broadcast_in_dim3A_42 = vector.broadcast %broadcast_in_dim3A : f32 to vector<16xf32>
    %scan3A = arith.constant 0 : i32
    %scan3A_43 = arith.constant 32 : i32
    %scan3A_44 = arith.addi %scan3A, %scan3A_43 : i32
    %scan3A_45 = arith.constant 1 : i32
    %scan3A_46:4 = scf.for %scan3A_55 = %scan3A to %scan3A_44 step %scan3A_45 iter_args(%scan3A_56 = %broadcast_in_dim3A_42, %scan3A_57 = %broadcast_in_dim3A_42, %scan3A_58 = %broadcast_in_dim3A_42, %scan3A_59 = %broadcast_in_dim3A_42) -> (vector<16xf32>, vector<16xf32>, vector<16xf32>, vector<16xf32>)  : i32 {
      %jit3A = arith.constant 4 : i32
      %eq3A = arith.constant 0 : i32
      %eq3A_60 = arith.cmpi eq, %jit3A, %eq3A : i32
      %jit3A_61 = arith.constant 1 : i32
      %select_n3A = arith.select %eq3A_60, %jit3A_61, %jit3A : i32
      %rem3A = arith.remsi %scan3A_55, %select_n3A : i32
      %ne3A = arith.constant 0 : i32
      %ne3A_62 = arith.cmpi ne, %rem3A, %ne3A : i32
      %lt3A = arith.constant 0 : i32
      %lt3A_63 = arith.cmpi slt, %rem3A, %lt3A : i32
      %lt3A_64 = arith.constant 0 : i32
      %lt3A_65 = arith.cmpi slt, %select_n3A, %lt3A_64 : i32
      %ne3A_66 = arith.xori %lt3A_63, %lt3A_65 : i1
      %and3A = arith.andi %ne3A_66, %ne3A_62 : i1
      %add3A_67 = arith.addi %rem3A, %select_n3A : i32
      %select_n3A_68 = arith.select %and3A, %add3A_67, %rem3A : i32
      %mul3A_69 = arith.constant 41 : i32
      %mul3A_70 = arith.muli %select_n3A_68, %mul3A_69 : i32
      %eq3A_71 = arith.constant 0 : i32
      %eq3A_72 = arith.cmpi eq, %select_n3A_68, %eq3A_71 : i32
      %convert_element_type3A = arith.extui %eq3A_72 : i1 to i32
      %cond3A = arith.constant 0 : i32
      %cond3A_73 = arith.cmpi ne, %convert_element_type3A, %cond3A : i32
      scf.if %cond3A_73 {
        %dma_wait3A = arith.constant 0 : i32
        %dma_wait3A_648 = arith.constant 0 : i32
        %dma_wait3A_649 = tpu.memref_slice %arg7[%dma_wait3A, %dma_wait3A_648] : memref<164x128xf32, #tpu.memory_space<vmem>> -> memref<41x128xf32, #tpu.memory_space<vmem>>
        %dma_wait3A_650 = arith.constant 0 : i32
        %dma_wait3A_651 = tpu.memref_slice %arg6[%scan3A_55, %dma_wait3A_650] : memref<32x41xi32, #tpu.memory_space<vmem>> -> memref<1x41xi32, #tpu.memory_space<vmem>>
        %dma_wait3A_652 = tpu.memref_squeeze %dma_wait3A_651 : memref<1x41xi32, #tpu.memory_space<vmem>> -> memref<41xi32, #tpu.memory_space<vmem>>
        %dma_wait3A_653 = arith.constant 0 : i32
        %dma_wait3A_654 = arith.constant 0 : i32
        %dma_wait3A_655 = tpu.memref_slice %arg2[%dma_wait3A_653, %dma_wait3A_654] : memref<100000x128xf32, #tpu.memory_space<hbm>> -> memref<100000x128xf32, #tpu.memory_space<hbm>>
        tpu.wait_indirect_dma semaphore(%arg10 : memref<!tpu.dma_semaphore, #tpu.memory_space<semaphore_mem>>) src(%dma_wait3A_655 : memref<100000x128xf32, #tpu.memory_space<hbm>>) dst(%dma_wait3A_649 : memref<41x128xf32, #tpu.memory_space<vmem>>)
      } else {
      }
      %eq3A_74 = arith.constant 1 : i32
      %eq3A_75 = arith.cmpi eq, %select_n3A_68, %eq3A_74 : i32
      %convert_element_type3A_76 = arith.extui %eq3A_75 : i1 to i32
      %cond3A_77 = arith.constant 0 : i32
      %cond3A_78 = arith.cmpi ne, %convert_element_type3A_76, %cond3A_77 : i32
      scf.if %cond3A_78 {
        %dma_wait3A = arith.constant 41 : i32
        %dma_wait3A_648 = arith.constant 0 : i32
        %dma_wait3A_649 = tpu.memref_slice %arg7[%dma_wait3A, %dma_wait3A_648] : memref<164x128xf32, #tpu.memory_space<vmem>> -> memref<41x128xf32, #tpu.memory_space<vmem>>
        %dma_wait3A_650 = arith.constant 0 : i32
        %dma_wait3A_651 = tpu.memref_slice %arg6[%scan3A_55, %dma_wait3A_650] : memref<32x41xi32, #tpu.memory_space<vmem>> -> memref<1x41xi32, #tpu.memory_space<vmem>>
        %dma_wait3A_652 = tpu.memref_squeeze %dma_wait3A_651 : memref<1x41xi32, #tpu.memory_space<vmem>> -> memref<41xi32, #tpu.memory_space<vmem>>
        %dma_wait3A_653 = arith.constant 0 : i32
        %dma_wait3A_654 = arith.constant 0 : i32
        %dma_wait3A_655 = tpu.memref_slice %arg2[%dma_wait3A_653, %dma_wait3A_654] : memref<100000x128xf32, #tpu.memory_space<hbm>> -> memref<100000x128xf32, #tpu.memory_space<hbm>>
        tpu.wait_indirect_dma semaphore(%arg11 : memref<!tpu.dma_semaphore, #tpu.memory_space<semaphore_mem>>) src(%dma_wait3A_655 : memref<100000x128xf32, #tpu.memory_space<hbm>>) dst(%dma_wait3A_649 : memref<41x128xf32, #tpu.memory_space<vmem>>)
      } else {
      }
      %eq3A_79 = arith.constant 2 : i32
      %eq3A_80 = arith.cmpi eq, %select_n3A_68, %eq3A_79 : i32
      %convert_element_type3A_81 = arith.extui %eq3A_80 : i1 to i32
      %cond3A_82 = arith.constant 0 : i32
      %cond3A_83 = arith.cmpi ne, %convert_element_type3A_81, %cond3A_82 : i32
      scf.if %cond3A_83 {
        %dma_wait3A = arith.constant 82 : i32
        %dma_wait3A_648 = arith.constant 0 : i32
        %dma_wait3A_649 = tpu.memref_slice %arg7[%dma_wait3A, %dma_wait3A_648] : memref<164x128xf32, #tpu.memory_space<vmem>> -> memref<41x128xf32, #tpu.memory_space<vmem>>
        %dma_wait3A_650 = arith.constant 0 : i32
        %dma_wait3A_651 = tpu.memref_slice %arg6[%scan3A_55, %dma_wait3A_650] : memref<32x41xi32, #tpu.memory_space<vmem>> -> memref<1x41xi32, #tpu.memory_space<vmem>>
        %dma_wait3A_652 = tpu.memref_squeeze %dma_wait3A_651 : memref<1x41xi32, #tpu.memory_space<vmem>> -> memref<41xi32, #tpu.memory_space<vmem>>
        %dma_wait3A_653 = arith.constant 0 : i32
        %dma_wait3A_654 = arith.constant 0 : i32
        %dma_wait3A_655 = tpu.memref_slice %arg2[%dma_wait3A_653, %dma_wait3A_654] : memref<100000x128xf32, #tpu.memory_space<hbm>> -> memref<100000x128xf32, #tpu.memory_space<hbm>>
        tpu.wait_indirect_dma semaphore(%arg12 : memref<!tpu.dma_semaphore, #tpu.memory_space<semaphore_mem>>) src(%dma_wait3A_655 : memref<100000x128xf32, #tpu.memory_space<hbm>>) dst(%dma_wait3A_649 : memref<41x128xf32, #tpu.memory_space<vmem>>)
      } else {
      }
      %eq3A_84 = arith.constant 3 : i32
      %eq3A_85 = arith.cmpi eq, %select_n3A_68, %eq3A_84 : i32
      %convert_element_type3A_86 = arith.extui %eq3A_85 : i1 to i32
      %cond3A_87 = arith.constant 0 : i32
      %cond3A_88 = arith.cmpi ne, %convert_element_type3A_86, %cond3A_87 : i32
      scf.if %cond3A_88 {
        %dma_wait3A = arith.constant 123 : i32
        %dma_wait3A_648 = arith.constant 0 : i32
        %dma_wait3A_649 = tpu.memref_slice %arg7[%dma_wait3A, %dma_wait3A_648] : memref<164x128xf32, #tpu.memory_space<vmem>> -> memref<41x128xf32, #tpu.memory_space<vmem>>
        %dma_wait3A_650 = arith.constant 0 : i32
        %dma_wait3A_651 = tpu.memref_slice %arg6[%scan3A_55, %dma_wait3A_650] : memref<32x41xi32, #tpu.memory_space<vmem>> -> memref<1x41xi32, #tpu.memory_space<vmem>>
        %dma_wait3A_652 = tpu.memref_squeeze %dma_wait3A_651 : memref<1x41xi32, #tpu.memory_space<vmem>> -> memref<41xi32, #tpu.memory_space<vmem>>
        %dma_wait3A_653 = arith.constant 0 : i32
        %dma_wait3A_654 = arith.constant 0 : i32
        %dma_wait3A_655 = tpu.memref_slice %arg2[%dma_wait3A_653, %dma_wait3A_654] : memref<100000x128xf32, #tpu.memory_space<hbm>> -> memref<100000x128xf32, #tpu.memory_space<hbm>>
        tpu.wait_indirect_dma semaphore(%arg13 : memref<!tpu.dma_semaphore, #tpu.memory_space<semaphore_mem>>) src(%dma_wait3A_655 : memref<100000x128xf32, #tpu.memory_space<hbm>>) dst(%dma_wait3A_649 : memref<41x128xf32, #tpu.memory_space<vmem>>)
      } else {
      }
      %get3A = arith.index_cast %mul3A_70 : i32 to index
      %get3A_89 = arith.constant 0 : index
      %get3A_90 = tpu.vector_load %arg7[%get3A, %get3A_89] {strides = array<i32>} : memref<164x128xf32, #tpu.memory_space<vmem>>, vector<16xf32>,
      %get3A_91 = arith.index_cast %mul3A_70 : i32 to index
      %get3A_92 = arith.constant 16 : index
      %get3A_93 = tpu.vector_load %arg7[%get3A_91, %get3A_92] {strides = array<i32>} : memref<164x128xf32, #tpu.memory_space<vmem>>, vector<16xf32>,
      %get3A_94 = arith.index_cast %mul3A_70 : i32 to index
      %get3A_95 = arith.constant 32 : index
      %get3A_96 = tpu.vector_load %arg7[%get3A_94, %get3A_95] {strides = array<i32>} : memref<164x128xf32, #tpu.memory_space<vmem>>, vector<16xf32>,
      %get3A_97 = arith.index_cast %mul3A_70 : i32 to index
      %get3A_98 = arith.constant 48 : index
      %get3A_99 = tpu.vector_load %arg7[%get3A_97, %get3A_98] {strides = array<i32>} : memref<164x128xf32, #tpu.memory_space<vmem>>, vector<16xf32>,
      %get3A_100 = arith.index_cast %mul3A_70 : i32 to index
      %get3A_101 = arith.constant 64 : index
      %get3A_102 = tpu.vector_load %arg7[%get3A_100, %get3A_101] {strides = array<i32>} : memref<164x128xf32, #tpu.memory_space<vmem>>, vector<16xf32>,
      %get3A_103 = arith.index_cast %mul3A_70 : i32 to index
      %get3A_104 = arith.constant 80 : index
      %get3A_105 = tpu.vector_load %arg7[%get3A_103, %get3A_104] {strides = array<i32>} : memref<164x128xf32, #tpu.memory_space<vmem>>, vector<16xf32>,
      %get3A_106 = arith.index_cast %mul3A_70 : i32 to index
      %get3A_107 = arith.constant 96 : index
      %get3A_108 = tpu.vector_load %arg7[%get3A_106, %get3A_107] {strides = array<i32>} : memref<164x128xf32, #tpu.memory_space<vmem>>, vector<16xf32>,
      %get3A_109 = arith.index_cast %mul3A_70 : i32 to index
      %get3A_110 = arith.constant 112 : index
      %get3A_111 = tpu.vector_load %arg7[%get3A_109, %get3A_110] {strides = array<i32>} : memref<164x128xf32, #tpu.memory_space<vmem>>, vector<16xf32>,
      %broadcast_in_dim3A_112 = arith.constant 0.000000e+00 : f32
      %broadcast_in_dim3A_113 = vector.broadcast %broadcast_in_dim3A_112 : f32 to vector<16xf32>
      %scan3A_114 = arith.constant 0 : i32
      %scan3A_115 = arith.constant 41 : i32
      %scan3A_116 = arith.addi %scan3A_114, %scan3A_115 : i32
      %scan3A_117 = arith.constant 1 : i32
      %scan3A_118:3 = scf.for %scan3A_648 = %scan3A_114 to %scan3A_116 step %scan3A_117 iter_args(%scan3A_649 = %broadcast_in_dim3A_113, %scan3A_650 = %broadcast_in_dim3A_113, %scan3A_651 = %broadcast_in_dim3A_113) -> (vector<16xf32>, vector<16xf32>, vector<16xf32>)  : i32 {
        %add3A_652 = arith.addi %mul3A_70, %scan3A_648 : i32
        %get3A_653 = arith.index_cast %add3A_652 : i32 to index
        %get3A_654 = arith.constant 0 : index
        %get3A_655 = tpu.vector_load %arg7[%get3A_653, %get3A_654] {strides = array<i32>} : memref<164x128xf32, #tpu.memory_space<vmem>>, vector<16xf32>,
        %mul3A_656 = arith.mulf %get3A_655, %get3A_90 : vector<16xf32>
        %add3A_657 = arith.addi %mul3A_70, %scan3A_648 : i32
        %get3A_658 = arith.index_cast %add3A_657 : i32 to index
        %get3A_659 = arith.constant 16 : index
        %get3A_660 = tpu.vector_load %arg7[%get3A_658, %get3A_659] {strides = array<i32>} : memref<164x128xf32, #tpu.memory_space<vmem>>, vector<16xf32>,
        %mul3A_661 = arith.mulf %get3A_660, %get3A_93 : vector<16xf32>
        %add3A_662 = arith.addf %mul3A_656, %mul3A_661 : vector<16xf32>
        %add3A_663 = arith.addi %mul3A_70, %scan3A_648 : i32
        %get3A_664 = arith.index_cast %add3A_663 : i32 to index
        %get3A_665 = arith.constant 32 : index
        %get3A_666 = tpu.vector_load %arg7[%get3A_664, %get3A_665] {strides = array<i32>} : memref<164x128xf32, #tpu.memory_space<vmem>>, vector<16xf32>,
        %mul3A_667 = arith.mulf %get3A_666, %get3A_96 : vector<16xf32>
        %add3A_668 = arith.addf %add3A_662, %mul3A_667 : vector<16xf32>
        %add3A_669 = arith.addi %mul3A_70, %scan3A_648 : i32
        %get3A_670 = arith.index_cast %add3A_669 : i32 to index
        %get3A_671 = arith.constant 48 : index
        %get3A_672 = tpu.vector_load %arg7[%get3A_670, %get3A_671] {strides = array<i32>} : memref<164x128xf32, #tpu.memory_space<vmem>>, vector<16xf32>,
        %mul3A_673 = arith.mulf %get3A_672, %get3A_99 : vector<16xf32>
        %add3A_674 = arith.addf %add3A_668, %mul3A_673 : vector<16xf32>
        %add3A_675 = arith.addi %mul3A_70, %scan3A_648 : i32
        %get3A_676 = arith.index_cast %add3A_675 : i32 to index
        %get3A_677 = arith.constant 64 : index
        %get3A_678 = tpu.vector_load %arg7[%get3A_676, %get3A_677] {strides = array<i32>} : memref<164x128xf32, #tpu.memory_space<vmem>>, vector<16xf32>,
        %mul3A_679 = arith.mulf %get3A_678, %get3A_102 : vector<16xf32>
        %add3A_680 = arith.addf %add3A_674, %mul3A_679 : vector<16xf32>
        %add3A_681 = arith.addi %mul3A_70, %scan3A_648 : i32
        %get3A_682 = arith.index_cast %add3A_681 : i32 to index
        %get3A_683 = arith.constant 80 : index
        %get3A_684 = tpu.vector_load %arg7[%get3A_682, %get3A_683] {strides = array<i32>} : memref<164x128xf32, #tpu.memory_space<vmem>>, vector<16xf32>,
        %mul3A_685 = arith.mulf %get3A_684, %get3A_105 : vector<16xf32>
        %add3A_686 = arith.addf %add3A_680, %mul3A_685 : vector<16xf32>
        %add3A_687 = arith.addi %mul3A_70, %scan3A_648 : i32
        %get3A_688 = arith.index_cast %add3A_687 : i32 to index
        %get3A_689 = arith.constant 96 : index
        %get3A_690 = tpu.vector_load %arg7[%get3A_688, %get3A_689] {strides = array<i32>} : memref<164x128xf32, #tpu.memory_space<vmem>>, vector<16xf32>,
        %mul3A_691 = arith.mulf %get3A_690, %get3A_108 : vector<16xf32>
        %add3A_692 = arith.addf %add3A_686, %mul3A_691 : vector<16xf32>
        %add3A_693 = arith.addi %mul3A_70, %scan3A_648 : i32
        %get3A_694 = arith.index_cast %add3A_693 : i32 to index
        %get3A_695 = arith.constant 112 : index
        %get3A_696 = tpu.vector_load %arg7[%get3A_694, %get3A_695] {strides = array<i32>} : memref<164x128xf32, #tpu.memory_space<vmem>>, vector<16xf32>,
        %mul3A_697 = arith.mulf %get3A_696, %get3A_111 : vector<16xf32>
        %add3A_698 = arith.addf %add3A_692, %mul3A_697 : vector<16xf32>
        %reduce_sum3A_699 = arith.constant true
        %reduce_sum3A_700 = vector.broadcast %reduce_sum3A_699 : i1 to vector<16xi1>
        %reduce_sum3A_701 = tpu.scan <sum>, %add3A_698 masked %reduce_sum3A_700 : vector<16xf32>, vector<16xi1> -> vector<16xf32>
        %reduce_sum3A_702 = vector.extract %reduce_sum3A_701[15] : f32 from vector<16xf32>
        %jit3A_703 = arith.constant 16 : i32
        %eq3A_704 = arith.constant 0 : i32
        %eq3A_705 = arith.cmpi eq, %jit3A_703, %eq3A_704 : i32
        %jit3A_706 = arith.constant 1 : i32
        %select_n3A_707 = arith.select %eq3A_705, %jit3A_706, %jit3A_703 : i32
        %rem3A_708 = arith.remsi %scan3A_648, %select_n3A_707 : i32
        %ne3A_709 = arith.constant 0 : i32
        %ne3A_710 = arith.cmpi ne, %rem3A_708, %ne3A_709 : i32
        %lt3A_711 = arith.constant 0 : i32
        %lt3A_712 = arith.cmpi slt, %rem3A_708, %lt3A_711 : i32
        %lt3A_713 = arith.constant 0 : i32
        %lt3A_714 = arith.cmpi slt, %select_n3A_707, %lt3A_713 : i32
        %ne3A_715 = arith.xori %lt3A_712, %lt3A_714 : i1
        %and3A_716 = arith.andi %ne3A_715, %ne3A_710 : i1
        %add3A_717 = arith.addi %rem3A_708, %select_n3A_707 : i32
        %select_n3A_718 = arith.select %and3A_716, %add3A_717, %rem3A_708 : i32
        %eq3A_719 = vector.broadcast %select_n3A_718 : i32 to vector<16xi32>
        %eq3A_720 = arith.cmpi eq, %iota3A, %eq3A_719 : vector<16xi32>
        %lt3A_721 = arith.constant 16 : i32
        %lt3A_722 = arith.cmpi slt, %scan3A_648, %lt3A_721 : i32
        %and3A_723 = vector.broadcast %lt3A_722 : i1 to vector<16xi1>
        %and3A_724 = arith.andi %eq3A_720, %and3A_723 : vector<16xi1>
        %broadcast_in_dim3A_725 = vector.broadcast %reduce_sum3A_702 : f32 to vector<16xf32>
        %select_n3A_726 = arith.select %and3A_724, %broadcast_in_dim3A_725, %scan3A_649 : vector<16xi1>, vector<16xf32>
        %ge3A_727 = arith.constant 16 : i32
        %ge3A_728 = arith.cmpi sge, %scan3A_648, %ge3A_727 : i32
        %lt3A_729 = arith.constant 32 : i32
        %lt3A_730 = arith.cmpi slt, %scan3A_648, %lt3A_729 : i32
        %and3A_731 = arith.andi %ge3A_728, %lt3A_730 : i1
        %and3A_732 = vector.broadcast %and3A_731 : i1 to vector<16xi1>
        %and3A_733 = arith.andi %eq3A_720, %and3A_732 : vector<16xi1>
        %broadcast_in_dim3A_734 = vector.broadcast %reduce_sum3A_702 : f32 to vector<16xf32>
        %select_n3A_735 = arith.select %and3A_733, %broadcast_in_dim3A_734, %scan3A_650 : vector<16xi1>, vector<16xf32>
        %ge3A_736 = arith.constant 32 : i32
        %ge3A_737 = arith.cmpi sge, %scan3A_648, %ge3A_736 : i32
        %and3A_738 = vector.broadcast %ge3A_737 : i1 to vector<16xi1>
        %and3A_739 = arith.andi %eq3A_720, %and3A_738 : vector<16xi1>
        %broadcast_in_dim3A_740 = vector.broadcast %reduce_sum3A_702 : f32 to vector<16xf32>
        %select_n3A_741 = arith.select %and3A_739, %broadcast_in_dim3A_740, %scan3A_651 : vector<16xi1>, vector<16xf32>
        scf.yield %select_n3A_726, %select_n3A_735, %select_n3A_741 : vector<16xf32>, vector<16xf32>, vector<16xf32>
      }
      %scan3A_119 = arith.constant 41 : i32
      %get3A_120 = arith.index_cast %scan3A_55 : i32 to index
      %get3A_121 = arith.constant 0 : index
      %get3A_122 = tpu.vector_load %arg6[%get3A_120, %get3A_121] {strides = array<i32>} : memref<32x41xi32, #tpu.memory_space<vmem>>, vector<16xi32>,
      %get3A_123 = arith.index_cast %scan3A_55 : i32 to index
      %get3A_124 = arith.constant 16 : index
      %get3A_125 = tpu.vector_load %arg6[%get3A_123, %get3A_124] {strides = array<i32>} : memref<32x41xi32, #tpu.memory_space<vmem>>, vector<16xi32>,
      %broadcast_in_dim3A_126 = arith.constant 0 : i32
      %broadcast_in_dim3A_127 = vector.broadcast %broadcast_in_dim3A_126 : i32 to vector<16xi32>
      %broadcast_in_dim3A_128 = arith.constant 0 : i32
      %broadcast_in_dim3A_129 = vector.broadcast %broadcast_in_dim3A_128 : i32 to vector<16xi32>
      %broadcast_in_dim3A_130 = arith.constant 1 : i32
      %broadcast_in_dim3A_131 = vector.broadcast %broadcast_in_dim3A_130 : i32 to vector<16xi32>
      %broadcast_in_dim3A_132 = arith.constant 0 : i32
      %broadcast_in_dim3A_133 = vector.broadcast %broadcast_in_dim3A_132 : i32 to vector<16xi32>
      %broadcast_in_dim3A_134 = arith.constant 0 : i32
      %broadcast_in_dim3A_135 = vector.broadcast %broadcast_in_dim3A_134 : i32 to vector<16xi32>
      %lt3A_136 = arith.constant 0 : i32
      %lt3A_137 = vector.broadcast %lt3A_136 : i32 to vector<16xi32>
      %lt3A_138 = arith.cmpi slt, %broadcast_in_dim3A_135, %lt3A_137 : vector<16xi32>
      %add3A_139 = arith.constant 16 : i32
      %add3A_140 = vector.broadcast %add3A_139 : i32 to vector<16xi32>
      %add3A_141 = arith.addi %broadcast_in_dim3A_135, %add3A_140 : vector<16xi32>
      %select_n3A_142 = arith.select %lt3A_138, %add3A_141, %broadcast_in_dim3A_135 : vector<16xi1>, vector<16xi32>
      %broadcast_in_dim3A_143 = vector.shape_cast %select_n3A_142 : vector<16xi32> to vector<16x1xi32>
      %gather3A = vector.shape_cast %broadcast_in_dim3A_143 : vector<16x1xi32> to vector<16xi32>
      %gather3A_144 = tpu.dynamic_gather %get3A_122[%gather3A] in [0] : vector<16xi32>, vector<16xi32> -> vector<16xi32>
      %eq3A_145 = arith.cmpi eq, %get3A_122, %gather3A_144 : vector<16xi32>
      %select_n3A_146 = arith.select %eq3A_145, %broadcast_in_dim3A_131, %broadcast_in_dim3A_133 : vector<16xi1>, vector<16xi32>
      %add3A_147 = arith.addi %broadcast_in_dim3A_127, %select_n3A_146 : vector<16xi32>
      %eq3A_148 = arith.cmpi eq, %get3A_125, %gather3A_144 : vector<16xi32>
      %select_n3A_149 = arith.select %eq3A_148, %broadcast_in_dim3A_131, %broadcast_in_dim3A_133 : vector<16xi1>, vector<16xi32>
      %add3A_150 = arith.addi %broadcast_in_dim3A_129, %select_n3A_149 : vector<16xi32>
      %broadcast_in_dim3A_151 = arith.constant 1 : i32
      %broadcast_in_dim3A_152 = vector.broadcast %broadcast_in_dim3A_151 : i32 to vector<16xi32>
      %lt3A_153 = arith.constant 0 : i32
      %lt3A_154 = vector.broadcast %lt3A_153 : i32 to vector<16xi32>
      %lt3A_155 = arith.cmpi slt, %broadcast_in_dim3A_152, %lt3A_154 : vector<16xi32>
      %add3A_156 = arith.constant 16 : i32
      %add3A_157 = vector.broadcast %add3A_156 : i32 to vector<16xi32>
      %add3A_158 = arith.addi %broadcast_in_dim3A_152, %add3A_157 : vector<16xi32>
      %select_n3A_159 = arith.select %lt3A_155, %add3A_158, %broadcast_in_dim3A_152 : vector<16xi1>, vector<16xi32>
      %broadcast_in_dim3A_160 = vector.shape_cast %select_n3A_159 : vector<16xi32> to vector<16x1xi32>
      %gather3A_161 = vector.shape_cast %broadcast_in_dim3A_160 : vector<16x1xi32> to vector<16xi32>
      %gather3A_162 = tpu.dynamic_gather %get3A_122[%gather3A_161] in [0] : vector<16xi32>, vector<16xi32> -> vector<16xi32>
      %eq3A_163 = arith.cmpi eq, %get3A_122, %gather3A_162 : vector<16xi32>
      %select_n3A_164 = arith.select %eq3A_163, %broadcast_in_dim3A_131, %broadcast_in_dim3A_133 : vector<16xi1>, vector<16xi32>
      %add3A_165 = arith.addi %add3A_147, %select_n3A_164 : vector<16xi32>
      %eq3A_166 = arith.cmpi eq, %get3A_125, %gather3A_162 : vector<16xi32>
      %select_n3A_167 = arith.select %eq3A_166, %broadcast_in_dim3A_131, %broadcast_in_dim3A_133 : vector<16xi1>, vector<16xi32>
      %add3A_168 = arith.addi %add3A_150, %select_n3A_167 : vector<16xi32>
      %broadcast_in_dim3A_169 = arith.constant 2 : i32
      %broadcast_in_dim3A_170 = vector.broadcast %broadcast_in_dim3A_169 : i32 to vector<16xi32>
      %lt3A_171 = arith.constant 0 : i32
      %lt3A_172 = vector.broadcast %lt3A_171 : i32 to vector<16xi32>
      %lt3A_173 = arith.cmpi slt, %broadcast_in_dim3A_170, %lt3A_172 : vector<16xi32>
      %add3A_174 = arith.constant 16 : i32
      %add3A_175 = vector.broadcast %add3A_174 : i32 to vector<16xi32>
      %add3A_176 = arith.addi %broadcast_in_dim3A_170, %add3A_175 : vector<16xi32>
      %select_n3A_177 = arith.select %lt3A_173, %add3A_176, %broadcast_in_dim3A_170 : vector<16xi1>, vector<16xi32>
      %broadcast_in_dim3A_178 = vector.shape_cast %select_n3A_177 : vector<16xi32> to vector<16x1xi32>
      %gather3A_179 = vector.shape_cast %broadcast_in_dim3A_178 : vector<16x1xi32> to vector<16xi32>
      %gather3A_180 = tpu.dynamic_gather %get3A_122[%gather3A_179] in [0] : vector<16xi32>, vector<16xi32> -> vector<16xi32>
      %eq3A_181 = arith.cmpi eq, %get3A_122, %gather3A_180 : vector<16xi32>
      %select_n3A_182 = arith.select %eq3A_181, %broadcast_in_dim3A_131, %broadcast_in_dim3A_133 : vector<16xi1>, vector<16xi32>
      %add3A_183 = arith.addi %add3A_165, %select_n3A_182 : vector<16xi32>
      %eq3A_184 = arith.cmpi eq, %get3A_125, %gather3A_180 : vector<16xi32>
      %select_n3A_185 = arith.select %eq3A_184, %broadcast_in_dim3A_131, %broadcast_in_dim3A_133 : vector<16xi1>, vector<16xi32>
      %add3A_186 = arith.addi %add3A_168, %select_n3A_185 : vector<16xi32>
      %broadcast_in_dim3A_187 = arith.constant 3 : i32
      %broadcast_in_dim3A_188 = vector.broadcast %broadcast_in_dim3A_187 : i32 to vector<16xi32>
      %lt3A_189 = arith.constant 0 : i32
      %lt3A_190 = vector.broadcast %lt3A_189 : i32 to vector<16xi32>
      %lt3A_191 = arith.cmpi slt, %broadcast_in_dim3A_188, %lt3A_190 : vector<16xi32>
      %add3A_192 = arith.constant 16 : i32
      %add3A_193 = vector.broadcast %add3A_192 : i32 to vector<16xi32>
      %add3A_194 = arith.addi %broadcast_in_dim3A_188, %add3A_193 : vector<16xi32>
      %select_n3A_195 = arith.select %lt3A_191, %add3A_194, %broadcast_in_dim3A_188 : vector<16xi1>, vector<16xi32>
      %broadcast_in_dim3A_196 = vector.shape_cast %select_n3A_195 : vector<16xi32> to vector<16x1xi32>
      %gather3A_197 = vector.shape_cast %broadcast_in_dim3A_196 : vector<16x1xi32> to vector<16xi32>
      %gather3A_198 = tpu.dynamic_gather %get3A_122[%gather3A_197] in [0] : vector<16xi32>, vector<16xi32> -> vector<16xi32>
      %eq3A_199 = arith.cmpi eq, %get3A_122, %gather3A_198 : vector<16xi32>
      %select_n3A_200 = arith.select %eq3A_199, %broadcast_in_dim3A_131, %broadcast_in_dim3A_133 : vector<16xi1>, vector<16xi32>
      %add3A_201 = arith.addi %add3A_183, %select_n3A_200 : vector<16xi32>
      %eq3A_202 = arith.cmpi eq, %get3A_125, %gather3A_198 : vector<16xi32>
      %select_n3A_203 = arith.select %eq3A_202, %broadcast_in_dim3A_131, %broadcast_in_dim3A_133 : vector<16xi1>, vector<16xi32>
      %add3A_204 = arith.addi %add3A_186, %select_n3A_203 : vector<16xi32>
      %broadcast_in_dim3A_205 = arith.constant 4 : i32
      %broadcast_in_dim3A_206 = vector.broadcast %broadcast_in_dim3A_205 : i32 to vector<16xi32>
      %lt3A_207 = arith.constant 0 : i32
      %lt3A_208 = vector.broadcast %lt3A_207 : i32 to vector<16xi32>
      %lt3A_209 = arith.cmpi slt, %broadcast_in_dim3A_206, %lt3A_208 : vector<16xi32>
      %add3A_210 = arith.constant 16 : i32
      %add3A_211 = vector.broadcast %add3A_210 : i32 to vector<16xi32>
      %add3A_212 = arith.addi %broadcast_in_dim3A_206, %add3A_211 : vector<16xi32>
      %select_n3A_213 = arith.select %lt3A_209, %add3A_212, %broadcast_in_dim3A_206 : vector<16xi1>, vector<16xi32>
      %broadcast_in_dim3A_214 = vector.shape_cast %select_n3A_213 : vector<16xi32> to vector<16x1xi32>
      %gather3A_215 = vector.shape_cast %broadcast_in_dim3A_214 : vector<16x1xi32> to vector<16xi32>
      %gather3A_216 = tpu.dynamic_gather %get3A_122[%gather3A_215] in [0] : vector<16xi32>, vector<16xi32> -> vector<16xi32>
      %eq3A_217 = arith.cmpi eq, %get3A_122, %gather3A_216 : vector<16xi32>
      %select_n3A_218 = arith.select %eq3A_217, %broadcast_in_dim3A_131, %broadcast_in_dim3A_133 : vector<16xi1>, vector<16xi32>
      %add3A_219 = arith.addi %add3A_201, %select_n3A_218 : vector<16xi32>
      %eq3A_220 = arith.cmpi eq, %get3A_125, %gather3A_216 : vector<16xi32>
      %select_n3A_221 = arith.select %eq3A_220, %broadcast_in_dim3A_131, %broadcast_in_dim3A_133 : vector<16xi1>, vector<16xi32>
      %add3A_222 = arith.addi %add3A_204, %select_n3A_221 : vector<16xi32>
      %broadcast_in_dim3A_223 = arith.constant 5 : i32
      %broadcast_in_dim3A_224 = vector.broadcast %broadcast_in_dim3A_223 : i32 to vector<16xi32>
      %lt3A_225 = arith.constant 0 : i32
      %lt3A_226 = vector.broadcast %lt3A_225 : i32 to vector<16xi32>
      %lt3A_227 = arith.cmpi slt, %broadcast_in_dim3A_224, %lt3A_226 : vector<16xi32>
      %add3A_228 = arith.constant 16 : i32
      %add3A_229 = vector.broadcast %add3A_228 : i32 to vector<16xi32>
      %add3A_230 = arith.addi %broadcast_in_dim3A_224, %add3A_229 : vector<16xi32>
      %select_n3A_231 = arith.select %lt3A_227, %add3A_230, %broadcast_in_dim3A_224 : vector<16xi1>, vector<16xi32>
      %broadcast_in_dim3A_232 = vector.shape_cast %select_n3A_231 : vector<16xi32> to vector<16x1xi32>
      %gather3A_233 = vector.shape_cast %broadcast_in_dim3A_232 : vector<16x1xi32> to vector<16xi32>
      %gather3A_234 = tpu.dynamic_gather %get3A_122[%gather3A_233] in [0] : vector<16xi32>, vector<16xi32> -> vector<16xi32>
      %eq3A_235 = arith.cmpi eq, %get3A_122, %gather3A_234 : vector<16xi32>
      %select_n3A_236 = arith.select %eq3A_235, %broadcast_in_dim3A_131, %broadcast_in_dim3A_133 : vector<16xi1>, vector<16xi32>
      %add3A_237 = arith.addi %add3A_219, %select_n3A_236 : vector<16xi32>
      %eq3A_238 = arith.cmpi eq, %get3A_125, %gather3A_234 : vector<16xi32>
      %select_n3A_239 = arith.select %eq3A_238, %broadcast_in_dim3A_131, %broadcast_in_dim3A_133 : vector<16xi1>, vector<16xi32>
      %add3A_240 = arith.addi %add3A_222, %select_n3A_239 : vector<16xi32>
      %broadcast_in_dim3A_241 = arith.constant 6 : i32
      %broadcast_in_dim3A_242 = vector.broadcast %broadcast_in_dim3A_241 : i32 to vector<16xi32>
      %lt3A_243 = arith.constant 0 : i32
      %lt3A_244 = vector.broadcast %lt3A_243 : i32 to vector<16xi32>
      %lt3A_245 = arith.cmpi slt, %broadcast_in_dim3A_242, %lt3A_244 : vector<16xi32>
      %add3A_246 = arith.constant 16 : i32
      %add3A_247 = vector.broadcast %add3A_246 : i32 to vector<16xi32>
      %add3A_248 = arith.addi %broadcast_in_dim3A_242, %add3A_247 : vector<16xi32>
      %select_n3A_249 = arith.select %lt3A_245, %add3A_248, %broadcast_in_dim3A_242 : vector<16xi1>, vector<16xi32>
      %broadcast_in_dim3A_250 = vector.shape_cast %select_n3A_249 : vector<16xi32> to vector<16x1xi32>
      %gather3A_251 = vector.shape_cast %broadcast_in_dim3A_250 : vector<16x1xi32> to vector<16xi32>
      %gather3A_252 = tpu.dynamic_gather %get3A_122[%gather3A_251] in [0] : vector<16xi32>, vector<16xi32> -> vector<16xi32>
      %eq3A_253 = arith.cmpi eq, %get3A_122, %gather3A_252 : vector<16xi32>
      %select_n3A_254 = arith.select %eq3A_253, %broadcast_in_dim3A_131, %broadcast_in_dim3A_133 : vector<16xi1>, vector<16xi32>
      %add3A_255 = arith.addi %add3A_237, %select_n3A_254 : vector<16xi32>
      %eq3A_256 = arith.cmpi eq, %get3A_125, %gather3A_252 : vector<16xi32>
      %select_n3A_257 = arith.select %eq3A_256, %broadcast_in_dim3A_131, %broadcast_in_dim3A_133 : vector<16xi1>, vector<16xi32>
      %add3A_258 = arith.addi %add3A_240, %select_n3A_257 : vector<16xi32>
      %broadcast_in_dim3A_259 = arith.constant 7 : i32
      %broadcast_in_dim3A_260 = vector.broadcast %broadcast_in_dim3A_259 : i32 to vector<16xi32>
      %lt3A_261 = arith.constant 0 : i32
      %lt3A_262 = vector.broadcast %lt3A_261 : i32 to vector<16xi32>
      %lt3A_263 = arith.cmpi slt, %broadcast_in_dim3A_260, %lt3A_262 : vector<16xi32>
      %add3A_264 = arith.constant 16 : i32
      %add3A_265 = vector.broadcast %add3A_264 : i32 to vector<16xi32>
      %add3A_266 = arith.addi %broadcast_in_dim3A_260, %add3A_265 : vector<16xi32>
      %select_n3A_267 = arith.select %lt3A_263, %add3A_266, %broadcast_in_dim3A_260 : vector<16xi1>, vector<16xi32>
      %broadcast_in_dim3A_268 = vector.shape_cast %select_n3A_267 : vector<16xi32> to vector<16x1xi32>
      %gather3A_269 = vector.shape_cast %broadcast_in_dim3A_268 : vector<16x1xi32> to vector<16xi32>
      %gather3A_270 = tpu.dynamic_gather %get3A_122[%gather3A_269] in [0] : vector<16xi32>, vector<16xi32> -> vector<16xi32>
      %eq3A_271 = arith.cmpi eq, %get3A_122, %gather3A_270 : vector<16xi32>
      %select_n3A_272 = arith.select %eq3A_271, %broadcast_in_dim3A_131, %broadcast_in_dim3A_133 : vector<16xi1>, vector<16xi32>
      %add3A_273 = arith.addi %add3A_255, %select_n3A_272 : vector<16xi32>
      %eq3A_274 = arith.cmpi eq, %get3A_125, %gather3A_270 : vector<16xi32>
      %select_n3A_275 = arith.select %eq3A_274, %broadcast_in_dim3A_131, %broadcast_in_dim3A_133 : vector<16xi1>, vector<16xi32>
      %add3A_276 = arith.addi %add3A_258, %select_n3A_275 : vector<16xi32>
      %broadcast_in_dim3A_277 = arith.constant 8 : i32
      %broadcast_in_dim3A_278 = vector.broadcast %broadcast_in_dim3A_277 : i32 to vector<16xi32>
      %lt3A_279 = arith.constant 0 : i32
      %lt3A_280 = vector.broadcast %lt3A_279 : i32 to vector<16xi32>
      %lt3A_281 = arith.cmpi slt, %broadcast_in_dim3A_278, %lt3A_280 : vector<16xi32>
      %add3A_282 = arith.constant 16 : i32
      %add3A_283 = vector.broadcast %add3A_282 : i32 to vector<16xi32>
      %add3A_284 = arith.addi %broadcast_in_dim3A_278, %add3A_283 : vector<16xi32>
      %select_n3A_285 = arith.select %lt3A_281, %add3A_284, %broadcast_in_dim3A_278 : vector<16xi1>, vector<16xi32>
      %broadcast_in_dim3A_286 = vector.shape_cast %select_n3A_285 : vector<16xi32> to vector<16x1xi32>
      %gather3A_287 = vector.shape_cast %broadcast_in_dim3A_286 : vector<16x1xi32> to vector<16xi32>
      %gather3A_288 = tpu.dynamic_gather %get3A_122[%gather3A_287] in [0] : vector<16xi32>, vector<16xi32> -> vector<16xi32>
      %eq3A_289 = arith.cmpi eq, %get3A_122, %gather3A_288 : vector<16xi32>
      %select_n3A_290 = arith.select %eq3A_289, %broadcast_in_dim3A_131, %broadcast_in_dim3A_133 : vector<16xi1>, vector<16xi32>
      %add3A_291 = arith.addi %add3A_273, %select_n3A_290 : vector<16xi32>
      %eq3A_292 = arith.cmpi eq, %get3A_125, %gather3A_288 : vector<16xi32>
      %select_n3A_293 = arith.select %eq3A_292, %broadcast_in_dim3A_131, %broadcast_in_dim3A_133 : vector<16xi1>, vector<16xi32>
      %add3A_294 = arith.addi %add3A_276, %select_n3A_293 : vector<16xi32>
      %broadcast_in_dim3A_295 = arith.constant 9 : i32
      %broadcast_in_dim3A_296 = vector.broadcast %broadcast_in_dim3A_295 : i32 to vector<16xi32>
      %lt3A_297 = arith.constant 0 : i32
      %lt3A_298 = vector.broadcast %lt3A_297 : i32 to vector<16xi32>
      %lt3A_299 = arith.cmpi slt, %broadcast_in_dim3A_296, %lt3A_298 : vector<16xi32>
      %add3A_300 = arith.constant 16 : i32
      %add3A_301 = vector.broadcast %add3A_300 : i32 to vector<16xi32>
      %add3A_302 = arith.addi %broadcast_in_dim3A_296, %add3A_301 : vector<16xi32>
      %select_n3A_303 = arith.select %lt3A_299, %add3A_302, %broadcast_in_dim3A_296 : vector<16xi1>, vector<16xi32>
      %broadcast_in_dim3A_304 = vector.shape_cast %select_n3A_303 : vector<16xi32> to vector<16x1xi32>
      %gather3A_305 = vector.shape_cast %broadcast_in_dim3A_304 : vector<16x1xi32> to vector<16xi32>
      %gather3A_306 = tpu.dynamic_gather %get3A_122[%gather3A_305] in [0] : vector<16xi32>, vector<16xi32> -> vector<16xi32>
      %eq3A_307 = arith.cmpi eq, %get3A_122, %gather3A_306 : vector<16xi32>
      %select_n3A_308 = arith.select %eq3A_307, %broadcast_in_dim3A_131, %broadcast_in_dim3A_133 : vector<16xi1>, vector<16xi32>
      %add3A_309 = arith.addi %add3A_291, %select_n3A_308 : vector<16xi32>
      %eq3A_310 = arith.cmpi eq, %get3A_125, %gather3A_306 : vector<16xi32>
      %select_n3A_311 = arith.select %eq3A_310, %broadcast_in_dim3A_131, %broadcast_in_dim3A_133 : vector<16xi1>, vector<16xi32>
      %add3A_312 = arith.addi %add3A_294, %select_n3A_311 : vector<16xi32>
      %broadcast_in_dim3A_313 = arith.constant 10 : i32
      %broadcast_in_dim3A_314 = vector.broadcast %broadcast_in_dim3A_313 : i32 to vector<16xi32>
      %lt3A_315 = arith.constant 0 : i32
      %lt3A_316 = vector.broadcast %lt3A_315 : i32 to vector<16xi32>
      %lt3A_317 = arith.cmpi slt, %broadcast_in_dim3A_314, %lt3A_316 : vector<16xi32>
      %add3A_318 = arith.constant 16 : i32
      %add3A_319 = vector.broadcast %add3A_318 : i32 to vector<16xi32>
      %add3A_320 = arith.addi %broadcast_in_dim3A_314, %add3A_319 : vector<16xi32>
      %select_n3A_321 = arith.select %lt3A_317, %add3A_320, %broadcast_in_dim3A_314 : vector<16xi1>, vector<16xi32>
      %broadcast_in_dim3A_322 = vector.shape_cast %select_n3A_321 : vector<16xi32> to vector<16x1xi32>
      %gather3A_323 = vector.shape_cast %broadcast_in_dim3A_322 : vector<16x1xi32> to vector<16xi32>
      %gather3A_324 = tpu.dynamic_gather %get3A_122[%gather3A_323] in [0] : vector<16xi32>, vector<16xi32> -> vector<16xi32>
      %eq3A_325 = arith.cmpi eq, %get3A_122, %gather3A_324 : vector<16xi32>
      %select_n3A_326 = arith.select %eq3A_325, %broadcast_in_dim3A_131, %broadcast_in_dim3A_133 : vector<16xi1>, vector<16xi32>
      %add3A_327 = arith.addi %add3A_309, %select_n3A_326 : vector<16xi32>
      %eq3A_328 = arith.cmpi eq, %get3A_125, %gather3A_324 : vector<16xi32>
      %select_n3A_329 = arith.select %eq3A_328, %broadcast_in_dim3A_131, %broadcast_in_dim3A_133 : vector<16xi1>, vector<16xi32>
      %add3A_330 = arith.addi %add3A_312, %select_n3A_329 : vector<16xi32>
      %broadcast_in_dim3A_331 = arith.constant 11 : i32
      %broadcast_in_dim3A_332 = vector.broadcast %broadcast_in_dim3A_331 : i32 to vector<16xi32>
      %lt3A_333 = arith.constant 0 : i32
      %lt3A_334 = vector.broadcast %lt3A_333 : i32 to vector<16xi32>
      %lt3A_335 = arith.cmpi slt, %broadcast_in_dim3A_332, %lt3A_334 : vector<16xi32>
      %add3A_336 = arith.constant 16 : i32
      %add3A_337 = vector.broadcast %add3A_336 : i32 to vector<16xi32>
      %add3A_338 = arith.addi %broadcast_in_dim3A_332, %add3A_337 : vector<16xi32>
      %select_n3A_339 = arith.select %lt3A_335, %add3A_338, %broadcast_in_dim3A_332 : vector<16xi1>, vector<16xi32>
      %broadcast_in_dim3A_340 = vector.shape_cast %select_n3A_339 : vector<16xi32> to vector<16x1xi32>
      %gather3A_341 = vector.shape_cast %broadcast_in_dim3A_340 : vector<16x1xi32> to vector<16xi32>
      %gather3A_342 = tpu.dynamic_gather %get3A_122[%gather3A_341] in [0] : vector<16xi32>, vector<16xi32> -> vector<16xi32>
      %eq3A_343 = arith.cmpi eq, %get3A_122, %gather3A_342 : vector<16xi32>
      %select_n3A_344 = arith.select %eq3A_343, %broadcast_in_dim3A_131, %broadcast_in_dim3A_133 : vector<16xi1>, vector<16xi32>
      %add3A_345 = arith.addi %add3A_327, %select_n3A_344 : vector<16xi32>
      %eq3A_346 = arith.cmpi eq, %get3A_125, %gather3A_342 : vector<16xi32>
      %select_n3A_347 = arith.select %eq3A_346, %broadcast_in_dim3A_131, %broadcast_in_dim3A_133 : vector<16xi1>, vector<16xi32>
      %add3A_348 = arith.addi %add3A_330, %select_n3A_347 : vector<16xi32>
      %broadcast_in_dim3A_349 = arith.constant 12 : i32
      %broadcast_in_dim3A_350 = vector.broadcast %broadcast_in_dim3A_349 : i32 to vector<16xi32>
      %lt3A_351 = arith.constant 0 : i32
      %lt3A_352 = vector.broadcast %lt3A_351 : i32 to vector<16xi32>
      %lt3A_353 = arith.cmpi slt, %broadcast_in_dim3A_350, %lt3A_352 : vector<16xi32>
      %add3A_354 = arith.constant 16 : i32
      %add3A_355 = vector.broadcast %add3A_354 : i32 to vector<16xi32>
      %add3A_356 = arith.addi %broadcast_in_dim3A_350, %add3A_355 : vector<16xi32>
      %select_n3A_357 = arith.select %lt3A_353, %add3A_356, %broadcast_in_dim3A_350 : vector<16xi1>, vector<16xi32>
      %broadcast_in_dim3A_358 = vector.shape_cast %select_n3A_357 : vector<16xi32> to vector<16x1xi32>
      %gather3A_359 = vector.shape_cast %broadcast_in_dim3A_358 : vector<16x1xi32> to vector<16xi32>
      %gather3A_360 = tpu.dynamic_gather %get3A_122[%gather3A_359] in [0] : vector<16xi32>, vector<16xi32> -> vector<16xi32>
      %eq3A_361 = arith.cmpi eq, %get3A_122, %gather3A_360 : vector<16xi32>
      %select_n3A_362 = arith.select %eq3A_361, %broadcast_in_dim3A_131, %broadcast_in_dim3A_133 : vector<16xi1>, vector<16xi32>
      %add3A_363 = arith.addi %add3A_345, %select_n3A_362 : vector<16xi32>
      %eq3A_364 = arith.cmpi eq, %get3A_125, %gather3A_360 : vector<16xi32>
      %select_n3A_365 = arith.select %eq3A_364, %broadcast_in_dim3A_131, %broadcast_in_dim3A_133 : vector<16xi1>, vector<16xi32>
      %add3A_366 = arith.addi %add3A_348, %select_n3A_365 : vector<16xi32>
      %broadcast_in_dim3A_367 = arith.constant 13 : i32
      %broadcast_in_dim3A_368 = vector.broadcast %broadcast_in_dim3A_367 : i32 to vector<16xi32>
      %lt3A_369 = arith.constant 0 : i32
      %lt3A_370 = vector.broadcast %lt3A_369 : i32 to vector<16xi32>
      %lt3A_371 = arith.cmpi slt, %broadcast_in_dim3A_368, %lt3A_370 : vector<16xi32>
      %add3A_372 = arith.constant 16 : i32
      %add3A_373 = vector.broadcast %add3A_372 : i32 to vector<16xi32>
      %add3A_374 = arith.addi %broadcast_in_dim3A_368, %add3A_373 : vector<16xi32>
      %select_n3A_375 = arith.select %lt3A_371, %add3A_374, %broadcast_in_dim3A_368 : vector<16xi1>, vector<16xi32>
      %broadcast_in_dim3A_376 = vector.shape_cast %select_n3A_375 : vector<16xi32> to vector<16x1xi32>
      %gather3A_377 = vector.shape_cast %broadcast_in_dim3A_376 : vector<16x1xi32> to vector<16xi32>
      %gather3A_378 = tpu.dynamic_gather %get3A_122[%gather3A_377] in [0] : vector<16xi32>, vector<16xi32> -> vector<16xi32>
      %eq3A_379 = arith.cmpi eq, %get3A_122, %gather3A_378 : vector<16xi32>
      %select_n3A_380 = arith.select %eq3A_379, %broadcast_in_dim3A_131, %broadcast_in_dim3A_133 : vector<16xi1>, vector<16xi32>
      %add3A_381 = arith.addi %add3A_363, %select_n3A_380 : vector<16xi32>
      %eq3A_382 = arith.cmpi eq, %get3A_125, %gather3A_378 : vector<16xi32>
      %select_n3A_383 = arith.select %eq3A_382, %broadcast_in_dim3A_131, %broadcast_in_dim3A_133 : vector<16xi1>, vector<16xi32>
      %add3A_384 = arith.addi %add3A_366, %select_n3A_383 : vector<16xi32>
      %broadcast_in_dim3A_385 = arith.constant 14 : i32
      %broadcast_in_dim3A_386 = vector.broadcast %broadcast_in_dim3A_385 : i32 to vector<16xi32>
      %lt3A_387 = arith.constant 0 : i32
      %lt3A_388 = vector.broadcast %lt3A_387 : i32 to vector<16xi32>
      %lt3A_389 = arith.cmpi slt, %broadcast_in_dim3A_386, %lt3A_388 : vector<16xi32>
      %add3A_390 = arith.constant 16 : i32
      %add3A_391 = vector.broadcast %add3A_390 : i32 to vector<16xi32>
      %add3A_392 = arith.addi %broadcast_in_dim3A_386, %add3A_391 : vector<16xi32>
      %select_n3A_393 = arith.select %lt3A_389, %add3A_392, %broadcast_in_dim3A_386 : vector<16xi1>, vector<16xi32>
      %broadcast_in_dim3A_394 = vector.shape_cast %select_n3A_393 : vector<16xi32> to vector<16x1xi32>
      %gather3A_395 = vector.shape_cast %broadcast_in_dim3A_394 : vector<16x1xi32> to vector<16xi32>
      %gather3A_396 = tpu.dynamic_gather %get3A_122[%gather3A_395] in [0] : vector<16xi32>, vector<16xi32> -> vector<16xi32>
      %eq3A_397 = arith.cmpi eq, %get3A_122, %gather3A_396 : vector<16xi32>
      %select_n3A_398 = arith.select %eq3A_397, %broadcast_in_dim3A_131, %broadcast_in_dim3A_133 : vector<16xi1>, vector<16xi32>
      %add3A_399 = arith.addi %add3A_381, %select_n3A_398 : vector<16xi32>
      %eq3A_400 = arith.cmpi eq, %get3A_125, %gather3A_396 : vector<16xi32>
      %select_n3A_401 = arith.select %eq3A_400, %broadcast_in_dim3A_131, %broadcast_in_dim3A_133 : vector<16xi1>, vector<16xi32>
      %add3A_402 = arith.addi %add3A_384, %select_n3A_401 : vector<16xi32>
      %broadcast_in_dim3A_403 = arith.constant 15 : i32
      %broadcast_in_dim3A_404 = vector.broadcast %broadcast_in_dim3A_403 : i32 to vector<16xi32>
      %lt3A_405 = arith.constant 0 : i32
      %lt3A_406 = vector.broadcast %lt3A_405 : i32 to vector<16xi32>
      %lt3A_407 = arith.cmpi slt, %broadcast_in_dim3A_404, %lt3A_406 : vector<16xi32>
      %add3A_408 = arith.constant 16 : i32
      %add3A_409 = vector.broadcast %add3A_408 : i32 to vector<16xi32>
      %add3A_410 = arith.addi %broadcast_in_dim3A_404, %add3A_409 : vector<16xi32>
      %select_n3A_411 = arith.select %lt3A_407, %add3A_410, %broadcast_in_dim3A_404 : vector<16xi1>, vector<16xi32>
      %broadcast_in_dim3A_412 = vector.shape_cast %select_n3A_411 : vector<16xi32> to vector<16x1xi32>
      %gather3A_413 = vector.shape_cast %broadcast_in_dim3A_412 : vector<16x1xi32> to vector<16xi32>
      %gather3A_414 = tpu.dynamic_gather %get3A_122[%gather3A_413] in [0] : vector<16xi32>, vector<16xi32> -> vector<16xi32>
      %eq3A_415 = arith.cmpi eq, %get3A_122, %gather3A_414 : vector<16xi32>
      %select_n3A_416 = arith.select %eq3A_415, %broadcast_in_dim3A_131, %broadcast_in_dim3A_133 : vector<16xi1>, vector<16xi32>
      %add3A_417 = arith.addi %add3A_399, %select_n3A_416 : vector<16xi32>
      %eq3A_418 = arith.cmpi eq, %get3A_125, %gather3A_414 : vector<16xi32>
      %select_n3A_419 = arith.select %eq3A_418, %broadcast_in_dim3A_131, %broadcast_in_dim3A_133 : vector<16xi1>, vector<16xi32>
      %add3A_420 = arith.addi %add3A_402, %select_n3A_419 : vector<16xi32>
      %broadcast_in_dim3A_421 = arith.constant 0 : i32
      %broadcast_in_dim3A_422 = vector.broadcast %broadcast_in_dim3A_421 : i32 to vector<16xi32>
      %lt3A_423 = arith.constant 0 : i32
      %lt3A_424 = vector.broadcast %lt3A_423 : i32 to vector<16xi32>
      %lt3A_425 = arith.cmpi slt, %broadcast_in_dim3A_422, %lt3A_424 : vector<16xi32>
      %add3A_426 = arith.constant 16 : i32
      %add3A_427 = vector.broadcast %add3A_426 : i32 to vector<16xi32>
      %add3A_428 = arith.addi %broadcast_in_dim3A_422, %add3A_427 : vector<16xi32>
      %select_n3A_429 = arith.select %lt3A_425, %add3A_428, %broadcast_in_dim3A_422 : vector<16xi1>, vector<16xi32>
      %broadcast_in_dim3A_430 = vector.shape_cast %select_n3A_429 : vector<16xi32> to vector<16x1xi32>
      %gather3A_431 = vector.shape_cast %broadcast_in_dim3A_430 : vector<16x1xi32> to vector<16xi32>
      %gather3A_432 = tpu.dynamic_gather %get3A_125[%gather3A_431] in [0] : vector<16xi32>, vector<16xi32> -> vector<16xi32>
      %eq3A_433 = arith.cmpi eq, %get3A_122, %gather3A_432 : vector<16xi32>
      %select_n3A_434 = arith.select %eq3A_433, %broadcast_in_dim3A_131, %broadcast_in_dim3A_133 : vector<16xi1>, vector<16xi32>
      %add3A_435 = arith.addi %add3A_417, %select_n3A_434 : vector<16xi32>
      %eq3A_436 = arith.cmpi eq, %get3A_125, %gather3A_432 : vector<16xi32>
      %select_n3A_437 = arith.select %eq3A_436, %broadcast_in_dim3A_131, %broadcast_in_dim3A_133 : vector<16xi1>, vector<16xi32>
      %add3A_438 = arith.addi %add3A_420, %select_n3A_437 : vector<16xi32>
      %broadcast_in_dim3A_439 = arith.constant 1 : i32
      %broadcast_in_dim3A_440 = vector.broadcast %broadcast_in_dim3A_439 : i32 to vector<16xi32>
      %lt3A_441 = arith.constant 0 : i32
      %lt3A_442 = vector.broadcast %lt3A_441 : i32 to vector<16xi32>
      %lt3A_443 = arith.cmpi slt, %broadcast_in_dim3A_440, %lt3A_442 : vector<16xi32>
      %add3A_444 = arith.constant 16 : i32
      %add3A_445 = vector.broadcast %add3A_444 : i32 to vector<16xi32>
      %add3A_446 = arith.addi %broadcast_in_dim3A_440, %add3A_445 : vector<16xi32>
      %select_n3A_447 = arith.select %lt3A_443, %add3A_446, %broadcast_in_dim3A_440 : vector<16xi1>, vector<16xi32>
      %broadcast_in_dim3A_448 = vector.shape_cast %select_n3A_447 : vector<16xi32> to vector<16x1xi32>
      %gather3A_449 = vector.shape_cast %broadcast_in_dim3A_448 : vector<16x1xi32> to vector<16xi32>
      %gather3A_450 = tpu.dynamic_gather %get3A_125[%gather3A_449] in [0] : vector<16xi32>, vector<16xi32> -> vector<16xi32>
      %eq3A_451 = arith.cmpi eq, %get3A_122, %gather3A_450 : vector<16xi32>
      %select_n3A_452 = arith.select %eq3A_451, %broadcast_in_dim3A_131, %broadcast_in_dim3A_133 : vector<16xi1>, vector<16xi32>
      %add3A_453 = arith.addi %add3A_435, %select_n3A_452 : vector<16xi32>
      %eq3A_454 = arith.cmpi eq, %get3A_125, %gather3A_450 : vector<16xi32>
      %select_n3A_455 = arith.select %eq3A_454, %broadcast_in_dim3A_131, %broadcast_in_dim3A_133 : vector<16xi1>, vector<16xi32>
      %add3A_456 = arith.addi %add3A_438, %select_n3A_455 : vector<16xi32>
      %broadcast_in_dim3A_457 = arith.constant 2 : i32
      %broadcast_in_dim3A_458 = vector.broadcast %broadcast_in_dim3A_457 : i32 to vector<16xi32>
      %lt3A_459 = arith.constant 0 : i32
      %lt3A_460 = vector.broadcast %lt3A_459 : i32 to vector<16xi32>
      %lt3A_461 = arith.cmpi slt, %broadcast_in_dim3A_458, %lt3A_460 : vector<16xi32>
      %add3A_462 = arith.constant 16 : i32
      %add3A_463 = vector.broadcast %add3A_462 : i32 to vector<16xi32>
      %add3A_464 = arith.addi %broadcast_in_dim3A_458, %add3A_463 : vector<16xi32>
      %select_n3A_465 = arith.select %lt3A_461, %add3A_464, %broadcast_in_dim3A_458 : vector<16xi1>, vector<16xi32>
      %broadcast_in_dim3A_466 = vector.shape_cast %select_n3A_465 : vector<16xi32> to vector<16x1xi32>
      %gather3A_467 = vector.shape_cast %broadcast_in_dim3A_466 : vector<16x1xi32> to vector<16xi32>
      %gather3A_468 = tpu.dynamic_gather %get3A_125[%gather3A_467] in [0] : vector<16xi32>, vector<16xi32> -> vector<16xi32>
      %eq3A_469 = arith.cmpi eq, %get3A_122, %gather3A_468 : vector<16xi32>
      %select_n3A_470 = arith.select %eq3A_469, %broadcast_in_dim3A_131, %broadcast_in_dim3A_133 : vector<16xi1>, vector<16xi32>
      %add3A_471 = arith.addi %add3A_453, %select_n3A_470 : vector<16xi32>
      %eq3A_472 = arith.cmpi eq, %get3A_125, %gather3A_468 : vector<16xi32>
      %select_n3A_473 = arith.select %eq3A_472, %broadcast_in_dim3A_131, %broadcast_in_dim3A_133 : vector<16xi1>, vector<16xi32>
      %add3A_474 = arith.addi %add3A_456, %select_n3A_473 : vector<16xi32>
      %broadcast_in_dim3A_475 = arith.constant 3 : i32
      %broadcast_in_dim3A_476 = vector.broadcast %broadcast_in_dim3A_475 : i32 to vector<16xi32>
      %lt3A_477 = arith.constant 0 : i32
      %lt3A_478 = vector.broadcast %lt3A_477 : i32 to vector<16xi32>
      %lt3A_479 = arith.cmpi slt, %broadcast_in_dim3A_476, %lt3A_478 : vector<16xi32>
      %add3A_480 = arith.constant 16 : i32
      %add3A_481 = vector.broadcast %add3A_480 : i32 to vector<16xi32>
      %add3A_482 = arith.addi %broadcast_in_dim3A_476, %add3A_481 : vector<16xi32>
      %select_n3A_483 = arith.select %lt3A_479, %add3A_482, %broadcast_in_dim3A_476 : vector<16xi1>, vector<16xi32>
      %broadcast_in_dim3A_484 = vector.shape_cast %select_n3A_483 : vector<16xi32> to vector<16x1xi32>
      %gather3A_485 = vector.shape_cast %broadcast_in_dim3A_484 : vector<16x1xi32> to vector<16xi32>
      %gather3A_486 = tpu.dynamic_gather %get3A_125[%gather3A_485] in [0] : vector<16xi32>, vector<16xi32> -> vector<16xi32>
      %eq3A_487 = arith.cmpi eq, %get3A_122, %gather3A_486 : vector<16xi32>
      %select_n3A_488 = arith.select %eq3A_487, %broadcast_in_dim3A_131, %broadcast_in_dim3A_133 : vector<16xi1>, vector<16xi32>
      %add3A_489 = arith.addi %add3A_471, %select_n3A_488 : vector<16xi32>
      %eq3A_490 = arith.cmpi eq, %get3A_125, %gather3A_486 : vector<16xi32>
      %select_n3A_491 = arith.select %eq3A_490, %broadcast_in_dim3A_131, %broadcast_in_dim3A_133 : vector<16xi1>, vector<16xi32>
      %add3A_492 = arith.addi %add3A_474, %select_n3A_491 : vector<16xi32>
      %broadcast_in_dim3A_493 = arith.constant 4 : i32
      %broadcast_in_dim3A_494 = vector.broadcast %broadcast_in_dim3A_493 : i32 to vector<16xi32>
      %lt3A_495 = arith.constant 0 : i32
      %lt3A_496 = vector.broadcast %lt3A_495 : i32 to vector<16xi32>
      %lt3A_497 = arith.cmpi slt, %broadcast_in_dim3A_494, %lt3A_496 : vector<16xi32>
      %add3A_498 = arith.constant 16 : i32
      %add3A_499 = vector.broadcast %add3A_498 : i32 to vector<16xi32>
      %add3A_500 = arith.addi %broadcast_in_dim3A_494, %add3A_499 : vector<16xi32>
      %select_n3A_501 = arith.select %lt3A_497, %add3A_500, %broadcast_in_dim3A_494 : vector<16xi1>, vector<16xi32>
      %broadcast_in_dim3A_502 = vector.shape_cast %select_n3A_501 : vector<16xi32> to vector<16x1xi32>
      %gather3A_503 = vector.shape_cast %broadcast_in_dim3A_502 : vector<16x1xi32> to vector<16xi32>
      %gather3A_504 = tpu.dynamic_gather %get3A_125[%gather3A_503] in [0] : vector<16xi32>, vector<16xi32> -> vector<16xi32>
      %eq3A_505 = arith.cmpi eq, %get3A_122, %gather3A_504 : vector<16xi32>
      %select_n3A_506 = arith.select %eq3A_505, %broadcast_in_dim3A_131, %broadcast_in_dim3A_133 : vector<16xi1>, vector<16xi32>
      %add3A_507 = arith.addi %add3A_489, %select_n3A_506 : vector<16xi32>
      %eq3A_508 = arith.cmpi eq, %get3A_125, %gather3A_504 : vector<16xi32>
      %select_n3A_509 = arith.select %eq3A_508, %broadcast_in_dim3A_131, %broadcast_in_dim3A_133 : vector<16xi1>, vector<16xi32>
      %add3A_510 = arith.addi %add3A_492, %select_n3A_509 : vector<16xi32>
      %exp3A = math.exp %scan3A_118#0 : vector<16xf32>
      %exp3A_511 = math.exp %scan3A_118#1 : vector<16xf32>
      %exp3A_512 = math.exp %scan3A_118#2 : vector<16xf32>
      %lt3A_513 = arith.constant 5 : i32
      %lt3A_514 = vector.broadcast %lt3A_513 : i32 to vector<16xi32>
      %lt3A_515 = arith.cmpi slt, %iota3A, %lt3A_514 : vector<16xi32>
      %convert_element_type3A_516 = arith.sitofp %add3A_510 : vector<16xi32> to vector<16xf32>
      %div3A = arith.constant 1.000000e+00 : f32
      %div3A_517 = vector.broadcast %div3A : f32 to vector<16xf32>
      %div3A_518 = arith.divf %div3A_517, %convert_element_type3A_516 : vector<16xf32>
      %broadcast_in_dim3A_519 = arith.constant 1.000000e+00 : f32
      %broadcast_in_dim3A_520 = vector.broadcast %broadcast_in_dim3A_519 : f32 to vector<16xf32>
      %select_n3A_521 = arith.select %lt3A_515, %div3A_518, %broadcast_in_dim3A_520 : vector<16xi1>, vector<16xf32>
      %convert_element_type3A_522 = arith.sitofp %add3A_507 : vector<16xi32> to vector<16xf32>
      %div3A_523 = arith.divf %exp3A, %convert_element_type3A_522 : vector<16xf32>
      %reduce_sum3A = arith.constant true
      %reduce_sum3A_524 = vector.broadcast %reduce_sum3A : i1 to vector<16xi1>
      %reduce_sum3A_525 = tpu.scan <sum>, %div3A_523 masked %reduce_sum3A_524 : vector<16xf32>, vector<16xi1> -> vector<16xf32>
      %reduce_sum3A_526 = vector.extract %reduce_sum3A_525[15] : f32 from vector<16xf32>
      %mul3A_527 = arith.mulf %exp3A_511, %select_n3A_521 : vector<16xf32>
      %reduce_sum3A_528 = arith.constant true
      %reduce_sum3A_529 = vector.broadcast %reduce_sum3A_528 : i1 to vector<16xi1>
      %reduce_sum3A_530 = tpu.scan <sum>, %mul3A_527 masked %reduce_sum3A_529 : vector<16xf32>, vector<16xi1> -> vector<16xf32>
      %reduce_sum3A_531 = vector.extract %reduce_sum3A_530[15] : f32 from vector<16xf32>
      %add3A_532 = arith.addf %reduce_sum3A_526, %reduce_sum3A_531 : f32
      %lt3A_533 = arith.constant 9 : i32
      %lt3A_534 = vector.broadcast %lt3A_533 : i32 to vector<16xi32>
      %lt3A_535 = arith.cmpi slt, %iota3A, %lt3A_534 : vector<16xi32>
      %broadcast_in_dim3A_536 = arith.constant 0.000000e+00 : f32
      %broadcast_in_dim3A_537 = vector.broadcast %broadcast_in_dim3A_536 : f32 to vector<16xf32>
      %select_n3A_538 = arith.select %lt3A_535, %exp3A_512, %broadcast_in_dim3A_537 : vector<16xi1>, vector<16xf32>
      %reduce_sum3A_539 = arith.constant true
      %reduce_sum3A_540 = vector.broadcast %reduce_sum3A_539 : i1 to vector<16xi1>
      %reduce_sum3A_541 = tpu.scan <sum>, %select_n3A_538 masked %reduce_sum3A_540 : vector<16xf32>, vector<16xi1> -> vector<16xf32>
      %reduce_sum3A_542 = vector.extract %reduce_sum3A_541[15] : f32 from vector<16xf32>
      %add3A_543 = arith.addf %add3A_532, %reduce_sum3A_542 : f32
      %ge3A = arith.constant 1 : i32
      %ge3A_544 = vector.broadcast %ge3A : i32 to vector<16xi32>
      %ge3A_545 = arith.cmpi sge, %iota3A, %ge3A_544 : vector<16xi32>
      %broadcast_in_dim3A_546 = arith.constant 0.000000e+00 : f32
      %broadcast_in_dim3A_547 = vector.broadcast %broadcast_in_dim3A_546 : f32 to vector<16xf32>
      %select_n3A_548 = arith.select %ge3A_545, %scan3A_118#0, %broadcast_in_dim3A_547 : vector<16xi1>, vector<16xf32>
      %reduce_sum3A_549 = arith.constant true
      %reduce_sum3A_550 = vector.broadcast %reduce_sum3A_549 : i1 to vector<16xi1>
      %reduce_sum3A_551 = tpu.scan <sum>, %select_n3A_548 masked %reduce_sum3A_550 : vector<16xf32>, vector<16xi1> -> vector<16xf32>
      %reduce_sum3A_552 = vector.extract %reduce_sum3A_551[15] : f32 from vector<16xf32>
      %lt3A_553 = arith.constant 5 : i32
      %lt3A_554 = vector.broadcast %lt3A_553 : i32 to vector<16xi32>
      %lt3A_555 = arith.cmpi slt, %iota3A, %lt3A_554 : vector<16xi32>
      %broadcast_in_dim3A_556 = arith.constant 0.000000e+00 : f32
      %broadcast_in_dim3A_557 = vector.broadcast %broadcast_in_dim3A_556 : f32 to vector<16xf32>
      %select_n3A_558 = arith.select %lt3A_555, %scan3A_118#1, %broadcast_in_dim3A_557 : vector<16xi1>, vector<16xf32>
      %reduce_sum3A_559 = arith.constant true
      %reduce_sum3A_560 = vector.broadcast %reduce_sum3A_559 : i1 to vector<16xi1>
      %reduce_sum3A_561 = tpu.scan <sum>, %select_n3A_558 masked %reduce_sum3A_560 : vector<16xf32>, vector<16xi1> -> vector<16xf32>
      %reduce_sum3A_562 = vector.extract %reduce_sum3A_561[15] : f32 from vector<16xf32>
      %add3A_563 = arith.addf %reduce_sum3A_552, %reduce_sum3A_562 : f32
      %jit3A_564 = arith.constant 16 : i32
      %eq3A_565 = arith.constant 0 : i32
      %eq3A_566 = arith.cmpi eq, %jit3A_564, %eq3A_565 : i32
      %jit3A_567 = arith.constant 1 : i32
      %select_n3A_568 = arith.select %eq3A_566, %jit3A_567, %jit3A_564 : i32
      %rem3A_569 = arith.remsi %scan3A_55, %select_n3A_568 : i32
      %ne3A_570 = arith.constant 0 : i32
      %ne3A_571 = arith.cmpi ne, %rem3A_569, %ne3A_570 : i32
      %lt3A_572 = arith.constant 0 : i32
      %lt3A_573 = arith.cmpi slt, %rem3A_569, %lt3A_572 : i32
      %lt3A_574 = arith.constant 0 : i32
      %lt3A_575 = arith.cmpi slt, %select_n3A_568, %lt3A_574 : i32
      %ne3A_576 = arith.xori %lt3A_573, %lt3A_575 : i1
      %and3A_577 = arith.andi %ne3A_576, %ne3A_571 : i1
      %add3A_578 = arith.addi %rem3A_569, %select_n3A_568 : i32
      %select_n3A_579 = arith.select %and3A_577, %add3A_578, %rem3A_569 : i32
      %eq3A_580 = vector.broadcast %select_n3A_579 : i32 to vector<16xi32>
      %eq3A_581 = arith.cmpi eq, %iota3A, %eq3A_580 : vector<16xi32>
      %lt3A_582 = arith.constant 16 : i32
      %lt3A_583 = arith.cmpi slt, %scan3A_55, %lt3A_582 : i32
      %and3A_584 = vector.broadcast %lt3A_583 : i1 to vector<16xi1>
      %and3A_585 = arith.andi %eq3A_581, %and3A_584 : vector<16xi1>
      %jit3A_586 = arith.constant 16 : i32
      %eq3A_587 = arith.constant 0 : i32
      %eq3A_588 = arith.cmpi eq, %jit3A_586, %eq3A_587 : i32
      %jit3A_589 = arith.constant 1 : i32
      %select_n3A_590 = arith.select %eq3A_588, %jit3A_589, %jit3A_586 : i32
      %rem3A_591 = arith.remsi %scan3A_55, %select_n3A_590 : i32
      %ne3A_592 = arith.constant 0 : i32
      %ne3A_593 = arith.cmpi ne, %rem3A_591, %ne3A_592 : i32
      %lt3A_594 = arith.constant 0 : i32
      %lt3A_595 = arith.cmpi slt, %rem3A_591, %lt3A_594 : i32
      %lt3A_596 = arith.constant 0 : i32
      %lt3A_597 = arith.cmpi slt, %select_n3A_590, %lt3A_596 : i32
      %ne3A_598 = arith.xori %lt3A_595, %lt3A_597 : i1
      %and3A_599 = arith.andi %ne3A_598, %ne3A_593 : i1
      %add3A_600 = arith.addi %rem3A_591, %select_n3A_590 : i32
      %select_n3A_601 = arith.select %and3A_599, %add3A_600, %rem3A_591 : i32
      %eq3A_602 = vector.broadcast %select_n3A_601 : i32 to vector<16xi32>
      %eq3A_603 = arith.cmpi eq, %iota3A, %eq3A_602 : vector<16xi32>
      %ge3A_604 = arith.constant 16 : i32
      %ge3A_605 = arith.cmpi sge, %scan3A_55, %ge3A_604 : i32
      %and3A_606 = vector.broadcast %ge3A_605 : i1 to vector<16xi1>
      %and3A_607 = arith.andi %eq3A_603, %and3A_606 : vector<16xi1>
      %broadcast_in_dim3A_608 = vector.broadcast %add3A_543 : f32 to vector<16xf32>
      %select_n3A_609 = arith.select %and3A_585, %broadcast_in_dim3A_608, %scan3A_56 : vector<16xi1>, vector<16xf32>
      %broadcast_in_dim3A_610 = vector.broadcast %add3A_543 : f32 to vector<16xf32>
      %select_n3A_611 = arith.select %and3A_607, %broadcast_in_dim3A_610, %scan3A_57 : vector<16xi1>, vector<16xf32>
      %broadcast_in_dim3A_612 = vector.broadcast %add3A_563 : f32 to vector<16xf32>
      %select_n3A_613 = arith.select %and3A_585, %broadcast_in_dim3A_612, %scan3A_58 : vector<16xi1>, vector<16xf32>
      %broadcast_in_dim3A_614 = vector.broadcast %add3A_563 : f32 to vector<16xf32>
      %select_n3A_615 = arith.select %and3A_607, %broadcast_in_dim3A_614, %scan3A_59 : vector<16xi1>, vector<16xf32>
      %eq3A_616 = arith.constant 0 : i32
      %eq3A_617 = arith.cmpi eq, %select_n3A_68, %eq3A_616 : i32
      %lt3A_618 = arith.constant 28 : i32
      %lt3A_619 = arith.cmpi slt, %scan3A_55, %lt3A_618 : i32
      %and3A_620 = arith.andi %eq3A_617, %lt3A_619 : i1
      %convert_element_type3A_621 = arith.extui %and3A_620 : i1 to i32
      %cond3A_622 = arith.constant 0 : i32
      %cond3A_623 = arith.cmpi ne, %convert_element_type3A_621, %cond3A_622 : i32
      scf.if %cond3A_623 {
        %add3A_648 = arith.constant 4 : i32
        %add3A_649 = arith.addi %scan3A_55, %add3A_648 : i32
        %dma_start3A_650 = arith.constant 0 : i32
        %dma_start3A_651 = arith.constant 0 : i32
        %dma_start3A_652 = tpu.memref_slice %arg7[%dma_start3A_650, %dma_start3A_651] : memref<164x128xf32, #tpu.memory_space<vmem>> -> memref<41x128xf32, #tpu.memory_space<vmem>>
        %dma_start3A_653 = arith.constant 0 : i32
        %dma_start3A_654 = tpu.memref_slice %arg6[%add3A_649, %dma_start3A_653] : memref<32x41xi32, #tpu.memory_space<vmem>> -> memref<1x41xi32, #tpu.memory_space<vmem>>
        %dma_start3A_655 = tpu.memref_squeeze %dma_start3A_654 : memref<1x41xi32, #tpu.memory_space<vmem>> -> memref<41xi32, #tpu.memory_space<vmem>>
        %dma_start3A_656 = arith.constant 0 : i32
        %dma_start3A_657 = arith.constant 0 : i32
        %dma_start3A_658 = tpu.memref_slice %arg2[%dma_start3A_656, %dma_start3A_657] : memref<100000x128xf32, #tpu.memory_space<hbm>> -> memref<100000x128xf32, #tpu.memory_space<hbm>>
        tpu.enqueue_indirect_dma source(%dma_start3A_658 : memref<100000x128xf32, #tpu.memory_space<hbm>>) target(%dma_start3A_652 : memref<41x128xf32, #tpu.memory_space<vmem>>) offsets(%dma_start3A_655 : memref<41xi32, #tpu.memory_space<vmem>>) semaphore(%arg10 : memref<!tpu.dma_semaphore, #tpu.memory_space<semaphore_mem>>)
      } else {
      }
      %eq3A_624 = arith.constant 1 : i32
      %eq3A_625 = arith.cmpi eq, %select_n3A_68, %eq3A_624 : i32
      %lt3A_626 = arith.constant 28 : i32
      %lt3A_627 = arith.cmpi slt, %scan3A_55, %lt3A_626 : i32
      %and3A_628 = arith.andi %eq3A_625, %lt3A_627 : i1
      %convert_element_type3A_629 = arith.extui %and3A_628 : i1 to i32
      %cond3A_630 = arith.constant 0 : i32
      %cond3A_631 = arith.cmpi ne, %convert_element_type3A_629, %cond3A_630 : i32
      scf.if %cond3A_631 {
        %add3A_648 = arith.constant 4 : i32
        %add3A_649 = arith.addi %scan3A_55, %add3A_648 : i32
        %dma_start3A_650 = arith.constant 41 : i32
        %dma_start3A_651 = arith.constant 0 : i32
        %dma_start3A_652 = tpu.memref_slice %arg7[%dma_start3A_650, %dma_start3A_651] : memref<164x128xf32, #tpu.memory_space<vmem>> -> memref<41x128xf32, #tpu.memory_space<vmem>>
        %dma_start3A_653 = arith.constant 0 : i32
        %dma_start3A_654 = tpu.memref_slice %arg6[%add3A_649, %dma_start3A_653] : memref<32x41xi32, #tpu.memory_space<vmem>> -> memref<1x41xi32, #tpu.memory_space<vmem>>
        %dma_start3A_655 = tpu.memref_squeeze %dma_start3A_654 : memref<1x41xi32, #tpu.memory_space<vmem>> -> memref<41xi32, #tpu.memory_space<vmem>>
        %dma_start3A_656 = arith.constant 0 : i32
        %dma_start3A_657 = arith.constant 0 : i32
        %dma_start3A_658 = tpu.memref_slice %arg2[%dma_start3A_656, %dma_start3A_657] : memref<100000x128xf32, #tpu.memory_space<hbm>> -> memref<100000x128xf32, #tpu.memory_space<hbm>>
        tpu.enqueue_indirect_dma source(%dma_start3A_658 : memref<100000x128xf32, #tpu.memory_space<hbm>>) target(%dma_start3A_652 : memref<41x128xf32, #tpu.memory_space<vmem>>) offsets(%dma_start3A_655 : memref<41xi32, #tpu.memory_space<vmem>>) semaphore(%arg11 : memref<!tpu.dma_semaphore, #tpu.memory_space<semaphore_mem>>)
      } else {
      }
      %eq3A_632 = arith.constant 2 : i32
      %eq3A_633 = arith.cmpi eq, %select_n3A_68, %eq3A_632 : i32
      %lt3A_634 = arith.constant 28 : i32
      %lt3A_635 = arith.cmpi slt, %scan3A_55, %lt3A_634 : i32
      %and3A_636 = arith.andi %eq3A_633, %lt3A_635 : i1
      %convert_element_type3A_637 = arith.extui %and3A_636 : i1 to i32
      %cond3A_638 = arith.constant 0 : i32
      %cond3A_639 = arith.cmpi ne, %convert_element_type3A_637, %cond3A_638 : i32
      scf.if %cond3A_639 {
        %add3A_648 = arith.constant 4 : i32
        %add3A_649 = arith.addi %scan3A_55, %add3A_648 : i32
        %dma_start3A_650 = arith.constant 82 : i32
        %dma_start3A_651 = arith.constant 0 : i32
        %dma_start3A_652 = tpu.memref_slice %arg7[%dma_start3A_650, %dma_start3A_651] : memref<164x128xf32, #tpu.memory_space<vmem>> -> memref<41x128xf32, #tpu.memory_space<vmem>>
        %dma_start3A_653 = arith.constant 0 : i32
        %dma_start3A_654 = tpu.memref_slice %arg6[%add3A_649, %dma_start3A_653] : memref<32x41xi32, #tpu.memory_space<vmem>> -> memref<1x41xi32, #tpu.memory_space<vmem>>
        %dma_start3A_655 = tpu.memref_squeeze %dma_start3A_654 : memref<1x41xi32, #tpu.memory_space<vmem>> -> memref<41xi32, #tpu.memory_space<vmem>>
        %dma_start3A_656 = arith.constant 0 : i32
        %dma_start3A_657 = arith.constant 0 : i32
        %dma_start3A_658 = tpu.memref_slice %arg2[%dma_start3A_656, %dma_start3A_657] : memref<100000x128xf32, #tpu.memory_space<hbm>> -> memref<100000x128xf32, #tpu.memory_space<hbm>>
        tpu.enqueue_indirect_dma source(%dma_start3A_658 : memref<100000x128xf32, #tpu.memory_space<hbm>>) target(%dma_start3A_652 : memref<41x128xf32, #tpu.memory_space<vmem>>) offsets(%dma_start3A_655 : memref<41xi32, #tpu.memory_space<vmem>>) semaphore(%arg12 : memref<!tpu.dma_semaphore, #tpu.memory_space<semaphore_mem>>)
      } else {
      }
      %eq3A_640 = arith.constant 3 : i32
      %eq3A_641 = arith.cmpi eq, %select_n3A_68, %eq3A_640 : i32
      %lt3A_642 = arith.constant 28 : i32
      %lt3A_643 = arith.cmpi slt, %scan3A_55, %lt3A_642 : i32
      %and3A_644 = arith.andi %eq3A_641, %lt3A_643 : i1
      %convert_element_type3A_645 = arith.extui %and3A_644 : i1 to i32
      %cond3A_646 = arith.constant 0 : i32
      %cond3A_647 = arith.cmpi ne, %convert_element_type3A_645, %cond3A_646 : i32
      scf.if %cond3A_647 {
        %add3A_648 = arith.constant 4 : i32
        %add3A_649 = arith.addi %scan3A_55, %add3A_648 : i32
        %dma_start3A_650 = arith.constant 123 : i32
        %dma_start3A_651 = arith.constant 0 : i32
        %dma_start3A_652 = tpu.memref_slice %arg7[%dma_start3A_650, %dma_start3A_651] : memref<164x128xf32, #tpu.memory_space<vmem>> -> memref<41x128xf32, #tpu.memory_space<vmem>>
        %dma_start3A_653 = arith.constant 0 : i32
        %dma_start3A_654 = tpu.memref_slice %arg6[%add3A_649, %dma_start3A_653] : memref<32x41xi32, #tpu.memory_space<vmem>> -> memref<1x41xi32, #tpu.memory_space<vmem>>
        %dma_start3A_655 = tpu.memref_squeeze %dma_start3A_654 : memref<1x41xi32, #tpu.memory_space<vmem>> -> memref<41xi32, #tpu.memory_space<vmem>>
        %dma_start3A_656 = arith.constant 0 : i32
        %dma_start3A_657 = arith.constant 0 : i32
        %dma_start3A_658 = tpu.memref_slice %arg2[%dma_start3A_656, %dma_start3A_657] : memref<100000x128xf32, #tpu.memory_space<hbm>> -> memref<100000x128xf32, #tpu.memory_space<hbm>>
        tpu.enqueue_indirect_dma source(%dma_start3A_658 : memref<100000x128xf32, #tpu.memory_space<hbm>>) target(%dma_start3A_652 : memref<41x128xf32, #tpu.memory_space<vmem>>) offsets(%dma_start3A_655 : memref<41xi32, #tpu.memory_space<vmem>>) semaphore(%arg13 : memref<!tpu.dma_semaphore, #tpu.memory_space<semaphore_mem>>)
      } else {
      }
      scf.yield %select_n3A_609, %select_n3A_611, %select_n3A_613, %select_n3A_615 : vector<16xf32>, vector<16xf32>, vector<16xf32>, vector<16xf32>
    }
    %scan3A_47 = arith.constant 32 : i32
    %swap3A = arith.constant 0 : index
    %swap3A_48 = tpu.vector_load %arg8[%swap3A] {strides = array<i32>} : memref<32xf32, #tpu.memory_space<vmem>>, vector<16xf32>,
    tpu.vector_store %arg8[%swap3A], %scan3A_46#0 {strides = array<i32>} : memref<32xf32, #tpu.memory_space<vmem>>, vector<16xf32>,
    %swap3A_49 = arith.constant 16 : index
    %swap3A_50 = tpu.vector_load %arg8[%swap3A_49] {strides = array<i32>} : memref<32xf32, #tpu.memory_space<vmem>>, vector<16xf32>,
    tpu.vector_store %arg8[%swap3A_49], %scan3A_46#1 {strides = array<i32>} : memref<32xf32, #tpu.memory_space<vmem>>, vector<16xf32>,
    %swap3A_51 = arith.constant 0 : index
    %swap3A_52 = tpu.vector_load %arg9[%swap3A_51] {strides = array<i32>} : memref<32xf32, #tpu.memory_space<vmem>>, vector<16xf32>,
    tpu.vector_store %arg9[%swap3A_51], %scan3A_46#2 {strides = array<i32>} : memref<32xf32, #tpu.memory_space<vmem>>, vector<16xf32>,
    %swap3A_53 = arith.constant 16 : index
    %swap3A_54 = tpu.vector_load %arg9[%swap3A_53] {strides = array<i32>} : memref<32xf32, #tpu.memory_space<vmem>>, vector<16xf32>,
    tpu.vector_store %arg9[%swap3A_53], %scan3A_46#3 {strides = array<i32>} : memref<32xf32, #tpu.memory_space<vmem>>, vector<16xf32>,
    "tpu.region"() ({
      %run_scoped3A = tpu.sem_alloc : memref<!tpu.dma_semaphore, #tpu.memory_space<semaphore_mem>>
      %dma_start3A_55 = tpu.memref_slice %arg4[%mul3A_2] : memref<1024xf32, #tpu.memory_space<hbm>> -> memref<32xf32, #tpu.memory_space<hbm>>
      %dma_start3A_56 = tpu.memref_slice %arg4[%mul3A_2] : memref<1024xf32, #tpu.memory_space<hbm>> -> memref<32xf32, #tpu.memory_space<hbm>>
      tpu.enqueue_dma source(%arg8 : memref<32xf32, #tpu.memory_space<vmem>>) target(%dma_start3A_56 : memref<32xf32, #tpu.memory_space<hbm>>) target_semaphore(%run_scoped3A : memref<!tpu.dma_semaphore, #tpu.memory_space<semaphore_mem>>)
      %dma_wait3A = tpu.memref_slice %arg4[%mul3A_2] : memref<1024xf32, #tpu.memory_space<hbm>> -> memref<32xf32, #tpu.memory_space<hbm>>
      %dma_wait3A_57 = tpu.memref_slice %arg4[%mul3A_2] : memref<1024xf32, #tpu.memory_space<hbm>> -> memref<32xf32, #tpu.memory_space<hbm>>
      tpu.wait_dma2 semaphore(%run_scoped3A : memref<!tpu.dma_semaphore, #tpu.memory_space<semaphore_mem>>) src(%arg8 : memref<32xf32, #tpu.memory_space<vmem>>) dst(%dma_wait3A_57 : memref<32xf32, #tpu.memory_space<hbm>>)
      tpu.yield
    }) : () -> ()
    "tpu.region"() ({
      %run_scoped3A = tpu.sem_alloc : memref<!tpu.dma_semaphore, #tpu.memory_space<semaphore_mem>>
      %dma_start3A_55 = tpu.memref_slice %arg5[%mul3A_2] : memref<1024xf32, #tpu.memory_space<hbm>> -> memref<32xf32, #tpu.memory_space<hbm>>
      %dma_start3A_56 = tpu.memref_slice %arg5[%mul3A_2] : memref<1024xf32, #tpu.memory_space<hbm>> -> memref<32xf32, #tpu.memory_space<hbm>>
      tpu.enqueue_dma source(%arg9 : memref<32xf32, #tpu.memory_space<vmem>>) target(%dma_start3A_56 : memref<32xf32, #tpu.memory_space<hbm>>) target_semaphore(%run_scoped3A : memref<!tpu.dma_semaphore, #tpu.memory_space<semaphore_mem>>)
      %dma_wait3A = tpu.memref_slice %arg5[%mul3A_2] : memref<1024xf32, #tpu.memory_space<hbm>> -> memref<32xf32, #tpu.memory_space<hbm>>
      %dma_wait3A_57 = tpu.memref_slice %arg5[%mul3A_2] : memref<1024xf32, #tpu.memory_space<hbm>> -> memref<32xf32, #tpu.memory_space<hbm>>
      tpu.wait_dma2 semaphore(%run_scoped3A : memref<!tpu.dma_semaphore, #tpu.memory_space<semaphore_mem>>) src(%arg9 : memref<32xf32, #tpu.memory_space<vmem>>) dst(%dma_wait3A_57 : memref<32xf32, #tpu.memory_space<hbm>>)
      tpu.yield
    }) : () -> ()
    return
  }
}

</mosaic_0001>

<sc_bundles>
// kernel: _sc_dennum.3.cloned.1.call-start
scs
__scs_entry_jumppad:
0x0: {  	(pc) =	sbr.rel $0x88, $3  }
0x1: {  	(tag) =	ssettag $0x0;
	lr =	simm.s32 $0x1  }
0x2: {  	[smem:$0x3F9F] =	sst lr;
	_ =	strace $0xD0000000  }
0x3: {  	_ = 	snop  }
0x4: {  	_ = 	snop  }
0x5: {  	_ = 	snop  }
0x6: {  	_ = 	snop  }
0x7: {  	_ = 	snop  }
__scs_overlays_trampoline_lowered:
0x8: {  	[smem:$0x3FAE] =	sst s0  }
0x9: {  	[smem:$0x3FAF] =	sst s1  }
0xa: {  	[smem:$0x3FB0] =	sst s2  }
0xb: {  	[smem:$0x3FB1] =	sst s3  }
0xc: {  	[smem:$0x3FB2] =	sst s4  }
0xd: {  	[smem:$0x3FB3] =	sst s5  }
0xe: {  	[smem:$0x3FB4] =	sst s6  }
0xf: {  	[smem:$0x3FB5] =	sst s7  }
0x10: {  	[smem:$0x3FB6] =	sst s8  }
0x11: {  	[smem:$0x3FB7] =	sst s9;
	s0 =	simm.s32 @!p0 $0x0  }
0x12: {  	s1 =	sld [smem:$0x3F9D];
	s0 =	simm.s32 @p0 $0x1  }
0x13: {  	[smem:$0x3FB8] =	sst s0;
	s0 =	simm.s32 @!p1 $0x0  }
0x14: {  	s2 =	sld [smem:$0x3F9C];
	s0 =	simm.s32 @p1 $0x1  }
0x15: {  	[smem:$0x3FB9] =	sst s0;
	s0 =	simm.s32 @!p2 $0x0  }
0x16: {  	s3 =	sld [smem:$0x3FDB];
	s0 =	simm.s32 @p2 $0x1  }
0x17: {  	s4 =	simm.s32 $0x1BF5;
	[smem:$0x3FBB] =	sst s0  }
0x18: {  	s0 =	sld [smem:$0x3F9E];
	_ =	swait.ge [sflag:s4], $0x0  }
0x19: {  	s7 =	sld [smem:$0x3F9F]  }
0x1a: {  	s8 =	sadd.s32 $0xFFFFE003, lr  }
0x1b: {  	s9 =	sadd.s32 $0xFFFFFEF7, lr;
	s5 =	simm.s32 $0xFFFFFFFF;
	p2 =	slt.u32 s8, $0xFFFFF086  }
0x1c: {  	p1 =	slt.u32 s9, $0xF7A;
	s5 =	simm.s32 @!p2 $0x0  }
0x1d: {  	s5 =	simm.s32 @p1 $0x1;
	p0 =	seq.s32 s7, s2  }
0x1e: {  	s7 =	smul.u32 @!p0 $0xF7A, s2;
	p2 =	seq.s32 @!p0 s5, $0x0  }
0x1f: {  	s9 =	smul.u32 $0xF7A, s1;
	s8 =	simm.s32 @!p0 $0x1BF5;
	p2 =	por !p2, p0  }
0x20: {  	[sflag:s8] =	ssyncset.s32 @!p0 $0xFFFFF086;
	s6 =	sadd.s32 @!p0 s3, s7;
	s7 =	simm.s32 @!p0 $0x108  }
0x21: {  	s3 =	sadd.s32 s3, s9;
	s6 =	sadd.s32 @!p0 $0x88, s6;
	s7 =	simm.s32 @p2 $0x1082  }
0x22: {  	[simem:s7], [sflag:s8] =	dma.local @!p0 [hbm:s6], $0xF7A  }
0x23: {  	s9 =	sor.u32 $0xD0000000, s2;
	s6 =	simm.s32 $0x108;
	_ =	swait.ge @!p0 [sflag:s8], $0x0  }
0x24: {  	s3 =	sadd.s32 $0x88, s3;
	s6 =	simm.s32 @!p1 $0x1082;
	[sflag:s4] =	ssyncset.s32 $0xFFFFF086  }
0x25: {  	[simem:s6], [sflag:s4] =	dma.local [hbm:s3], $0xF7A  }
0x26: {  	[smem:$0x3F9F] =	sst s1;
	(tag) =	ssettag s2;
	_ =	strace s9  }
0x27: {  	s1 =	sld [smem:$0x3FAF]  }
0x28: {  	s2 =	sld [smem:$0x3FB0]  }
0x29: {  	s4 =	sld [smem:$0x3FB2]  }
0x2a: {  	p0 =	seq.s32 s5, $0x0;
	s5 =	sld [smem:$0x3FB3]  }
0x2b: {  	s6 =	sld [smem:$0x3FB4]  }
0x2c: {  	s7 =	sld [smem:$0x3FB5]  }
0x2d: {  	s3 =	simm.s32 $0x108;
	s8 =	sld [smem:$0x3FB6]  }
0x2e: {  	s3 =	simm.s32 @!p0 $0x1082;
	s9 =	sld [smem:$0x3FB7]  }
0x2f: {  	lr =	sadd.s32 s0, s3;
	s0 =	sld [smem:$0x3FAE]  }
0x30: {  	s3 =	sld [smem:$0x3FB1]  }
0x31: {  	[smem:$0x3FBA] =	sst s10  }
0x32: {  	s10 =	sld [smem:$0x3FB8];
	_ =	sdelay $0x3  }
0x33: {  	p0 =	seq.s32 s10, $0x1;
	s10 =	sld [smem:$0x3FBA];
	_ =	sdelay $0x3  }
0x34: {  	[smem:$0x3FBA] =	sst s10  }
0x35: {  	s10 =	sld [smem:$0x3FB9];
	_ =	sdelay $0x3  }
0x36: {  	p1 =	seq.s32 s10, $0x1;
	s10 =	sld [smem:$0x3FBA];
	_ =	sdelay $0x3  }
0x37: {  	[smem:$0x3FBA] =	sst s10  }
0x38: {  	s10 =	sld [smem:$0x3FBB]  }
0x39: {  	_ = 	snop;
	(pc) =	sbr.ind lr, $3  }
0x3a: {  	_ = 	snop  }
0x3b: {  	_ = 	snop  }
0x3c: {  	p2 =	seq.s32 s10, $0x1;
	s10 =	sld [smem:$0x3FBA]  }
0x3d: {  	_ =	shalt  }
0x3e: {  	_ =	shalt  }
0x3f: {  	_ =	shalt  }
0x40: {  	_ =	shalt  }
0x41: {  	_ =	shalt  }
0x42: {  	_ =	shalt  }
0x43: {  	_ =	shalt  }
0x44: {  	_ =	shalt  }
0x45: {  	_ =	shalt  }
0x46: {  	_ =	shalt  }
0x47: {  	_ =	shalt  }
0x48: {  	_ =	shalt  }
0x49: {  	_ =	shalt  }
0x4a: {  	_ =	shalt  }
0x4b: {  	_ =	shalt  }
0x4c: {  	_ =	shalt  }
0x4d: {  	_ =	shalt  }
0x4e: {  	_ =	shalt  }
0x4f: {  	_ =	shalt  }
0x50: {  	_ =	shalt  }
0x51: {  	_ =	shalt  }
0x52: {  	_ =	shalt  }
0x53: {  	_ =	shalt  }
0x54: {  	_ =	shalt  }
0x55: {  	_ =	shalt  }
0x56: {  	_ =	shalt  }
0x57: {  	_ =	shalt  }
0x58: {  	_ =	shalt  }
0x59: {  	_ =	shalt  }
0x5a: {  	_ =	shalt  }
0x5b: {  	_ =	shalt  }
0x5c: {  	_ =	shalt  }
0x5d: {  	_ =	shalt  }
0x5e: {  	_ =	shalt  }
0x5f: {  	_ =	shalt  }
0x60: {  	_ =	shalt  }
0x61: {  	_ =	shalt  }
0x62: {  	_ =	shalt  }
0x63: {  	_ =	shalt  }
0x64: {  	_ =	shalt  }
0x65: {  	_ =	shalt  }
0x66: {  	_ =	shalt  }
0x67: {  	_ =	shalt  }
0x68: {  	_ =	shalt  }
0x69: {  	_ =	shalt  }
0x6a: {  	_ =	shalt  }
0x6b: {  	_ =	shalt  }
0x6c: {  	_ =	shalt  }
0x6d: {  	_ =	shalt  }
0x6e: {  	_ =	shalt  }
0x6f: {  	_ =	shalt  }
0x70: {  	_ =	shalt  }
0x71: {  	_ =	shalt  }
0x72: {  	_ =	shalt  }
0x73: {  	_ =	shalt  }
0x74: {  	_ =	shalt  }
0x75: {  	_ =	shalt  }
0x76: {  	_ =	shalt  }
0x77: {  	_ =	shalt  }
0x78: {  	_ =	shalt  }
0x79: {  	_ =	shalt  }
0x7a: {  	_ =	shalt  }
0x7b: {  	_ =	shalt  }
0x7c: {  	_ =	shalt  }
0x7d: {  	_ =	shalt  }
0x7e: {  	_ =	shalt  }
0x7f: {  	_ =	shalt  }
0x80: {  	_ =	shalt  }
0x81: {  	_ =	shalt  }
0x82: {  	_ =	shalt  }
0x83: {  	_ =	shalt  }
0x84: {  	_ =	shalt  }
0x85: {  	_ =	shalt  }
0x86: {  	_ =	shalt  }
0x87: {  	_ =	shalt  }
.Lfunc_end0:
.L_simem_size_0:
called_computation_lowered:
.L_overlay_start_0:
0x88: {  	s2 =	sld [smem:$0x3FD9]  }
0x89: {  	s3 =	sld [smem:$0x3FFE];
	_ =	sdelay $0x1  }
0x8a: {  	s1 =	srdreg.scid  }
0x8b: {  	s0 =	sand.u32 $0x1, s1  }
0x8c: {  	s14 =	sshll.u32 s0, $0xA;
	s2 =	sadd.s32 s3, s2  }
0x8d: {  	s2 =	sadd.s32 s2, s14  }
0x8e: {  	[smem:$0x3FC6] =	sst s2  }
0x8f: {  	_ = 	snop  }
0x90: {  	s2 =	sld [smem:$0x3FD0];
	_ =	sdelay $0x2  }
0x91: {  	s4 =	simm.s32 $0xA;
	s5 =	simm.s32 $0x10;
	s15 =	sld [smem:$0x3FC9]  }
0x92: {  	[smem:s5], [sflag:s4] =	dma.local [hbm:s2], $0x1  }
0x93: {  	_ =	swait.eq [sflag:s4], $0x1  }
0x94: {  	[sflag:s4] =	ssyncset.done $0x0  }
0x95: {  	s16 =	sld [smem:$0x10];
	[sflag:s4] =	ssyncadd.s32 $0xFFFFFFFF  }
0x96: {  	s17 =	sld [smem:$0x11];
	(tm) =	ssettm $0x1  }
0x97: {  	s18 =	sld [smem:$0x3FFB];
	_ =	sdelay $0x3  }
0x98: {  	_ =	strace s18  }
0x99: {  	s5 =	sld [smem:$0x3FFC];
	_ =	sdelay $0x3  }
0x9a: {  	_ =	strace s5  }
0x9b: {  	s5 =	sld [smem:$0x3FFD];
	_ =	sdelay $0x3  }
0x9c: {  	_ =	strace s5  }
0x9d: {  	_ =	strace $0x8FFFFFFF  }
0x9e: {  	s19 =	sld [smem:$0x3FDB];
	_ =	sdelay $0x1  }
0x9f: {  	s6 =	simm.s32 $_scs_section_size  }
0xa0: {  	s7 =	simm.s32 $_size__tile_overlayer_lowered;
	s8 =	simm.s32 $_tile_overlayer_lowered  }
0xa1: {  	s22 =	simm.s32 $0x1BFF;
	s21 =	sshll.u32 s8, $0x1;
	s5 =	sadd.s32 s6, s19  }
0xa2: {  	s9 =	simm.s32 $0x0;
	s20 =	sshll.u32 s7, $0x1;
	s7 =	sadd.s32 s21, s5  }
0xa3: {  	[timem:s9], [sflag:s22] =	dma.local [hbm:s7], s20  }
0xa4: {  	_ =	swait.ge [sflag:s22], s20  }
0xa5: {  	s6 =	ssub.s32 $0x0, s20;
	[sflag:s22] =	ssyncset.done $0x0  }
0xa6: {  	[sflag:s22] =	ssyncadd.s32 s6;
	_ =	sdelay $0x1  }
0xa7: {  	s23 =	simm.s32 $0x1B8B  }
0xa8: {  	_ =	swait.ge [sflag:s23], $0x1  }
0xa9: {  	[sflag:s23] =	ssyncset.done $0x0  }
0xaa: {  	s25 =	simm.s32 $0x1B8E;
	s24 =	sld [smem:$0x3FFE];
	[sflag:s23] =	ssyncadd.s32 $0xFFFFFFFF  }
0xab: {  	s26 =	simm.s32 $execute0_lowered;
	[smem:$0x3FD2] =	sst s25  }
0xac: {  	s7 =	sshll.u32 s26, $0x1;
	_ =	strace $0x80000046;
	[dreg:$0x1] =	wrdreg $0xFFFFFFFF  }
0xad: {  	s28 =	simm.s32 $_size_execute0_lowered;
	s5 =	sadd.s32 s5, s7;
	[dreg:$0x0] =	wrdreg $0x0  }
0xae: {  	s7 =	sshll.u32 s28, $0x1;
	[dreg:$0x2] =	wrdreg s5  }
0xaf: {  	[dreg:$0x3] =	wrdreg s7  }
0xb0: {  	[dreg:$0x4] =	wrdreg $0xC0  }
0xb1: {  	_ =	task [dreg:s9], $0x5FFFF  }
0xb2: {  	[dreg:$0x1] =	wrdreg $0xFFFFFFFF  }
0xb3: {  	[dreg:$0x0] =	wrdreg $0x60  }
0xb4: {  	[dreg:$0x2] =	wrdreg s15  }
0xb5: {  	[dreg:$0x3] =	wrdreg s24  }
0xb6: {  	[dreg:$0x4] =	wrdreg s16  }
0xb7: {  	[dreg:$0x5] =	wrdreg s17  }
0xb8: {  	[dreg:$0x6] =	wrdreg $0x9  }
0xb9: {  	_ =	task.clear_ibuf [dreg:s9], $0x7FFFF;
	_ =	strace $0x90000046  }
0xba: {  	s29 =	simm.s32 $0x9;
	_ =	strace $0x80000048  }
0xbb: {  	_ =	swait.ge [sflag:s29], $0x1  }
0xbc: {  	[sflag:s29] =	ssyncadd.s32 $0xFFFFFFFF  }
0xbd: {  	_ =	strace $0x90000048  }
0xbe: {  	_ =	sfence  }
0xbf: {  	s30 =	sld [smem:$0x0];
	_ =	sdelay $0x2  }
0xc0: {  	s31 =	sshll.u32 s1, $0xD;
	s1 =	sshrl.u32 s1, $0x2  }
0xc1: {  	s3 =	sand.u32 $0x4000, s31;
	s1 =	sadd.s32 s1, s30  }
0xc2: {  	s0 =	sor.u32 s3, s0;
	s1 =	sshll.u32 s1, $0x11  }
0xc3: {  	s0 =	sor.u32 s1, s0  }
0xc4: {  	s0 =	sadd.s32 $0x8F2B, s0  }
0xc5: {  	[sflag:s0] =	ssyncadd.remote.s32 $0x1  }
0xc6: {  	_ =	sfence.sel $0xFFFF  }
0xc7: {  	[dreg:$0x0] =	wrdreg $0xFFFFFFFF;
	(pc) =	sbr.abs _section_cstart, $3  }
0xc8: {  	[dreg:$0x1] =	wrdreg $0xFFFFFFFF  }
0xc9: {  	_ =	task.clear_ibuf [dreg:s9], $0x2FFFF;
	_ =	strace $0x9FFFFFFF  }
0xca: {  	(tm) =	ssettm $0x7FFFFFFF  }
0xcb: {  	_ =	shalt  }
tec
execute0_lowered:
.L_overlay_start_1:
0x0: {  	(tag) =	ssettag $0x1  }
0x1: {  	s1 =	rddreg [dreg:$0x0]  }
0x2: {  	s4 =	rddreg [dreg:$0x1];
	s2 =	srdreg.scid  }
0x3: {  	s5 =	rddreg [dreg:$0x2];
	s0 =	stileid.u32  }
0x4: {  	s7 =	rddreg [dreg:$0x3];
	s3 =	simm.s32 $0x0;
	s10 =	simm.s32 $0x1000  }
0x5: {  	s11 =	simm.s32 $0x80;
	s12 =	simm.s32 $0x2480;
	s13 =	simm.s32 $0x100  }
0x6: {  	s14 =	simm.s32 $0x3900;
	s15 =	simm.s32 $0x180;
	s16 =	simm.s32 $0x4D80  }
0x7: {  	v0 =	vlaneseq.u32;
	vm0 =	vmxor vm0, vm0;
	s17 =	simm.s32 $0x6400;
	s18 =	simm.s32 $0x6480;
	s6 =	sand.u32 $0x1, s2  }
0x8: {  	v1 =	vimm.s32 $0x0;
	v2 =	vimm.s32 $0x1;
	v3 =	vimm.s32 $0x2;
	s19 =	simm.s32 $0x0;
	s8 =	sshll.u32 s0, $0x6;
	s9 =	sshll.u32 s6, $0x5  }
0x9: {  	v4 =	vimm.s32 $0x3;
	v5 =	vimm.s32 $0x4;
	v6 =	vimm.s32 $0x5;
	[smem:$0x7FF] =	sst s3;
	s6 =	ssub.s32 $0x2, s6;
	s8 =	sor.u32 s9, s8  }
0xa: {  	v7 =	vimm.s32 $0x6;
	v8 =	vimm.s32 $0x7;
	v9 =	vimm.s32 $0x8;
	_ =	strace $0x80000047;
	s30 =	sshrl.u32 s6, $0x1;
	s9 =	sshll.u32 s8, $0x4  }
0xb: {  	v10 =	vimm.s32 $0x9;
	v11 =	vimm.s32 $0xA;
	v12 =	vimm.s32 $0xB;
	s31 =	sshrl.u32 s8, $0x3;
	s8 =	simm.s32 $0x5;
	s4 =	sadd.s32 s9, s4  }
0xc: {  	v13 =	vimm.s32 $0xC;
	v14 =	vimm.s32 $0xD;
	v15 =	vimm.s32 $0xE;
	s9 =	ssub.s32 s6, s30;
	s5 =	sadd.s32 s5, s31;
	s6 =	sadd.s32 s7, s31  }
0xd: {  	v16 =	vimm.s32 $0xF;
	vm1 =	vmmov $0x1f;
	vm2 =	vmmov $0x1ff;
	s4 =	sadd.s32 $0x600, s4;
	s7 =	smax.u32 s9, $0x1;
	s9 =	simm.s32 $0x29  }
.LBB2_1:
0xe: {  	[tilespmem:s3], [sflag:$0x5] =	stream.linear.gather [hbm4b:s4+s3], $0x1000, $0x38;
	[tilespmem:$0x6500] =	vst v63  }
0xf: {  	_ =	swait.ge [sflag:s8], $0x1000  }
0x10: {  	[sflag:s8] =	ssyncset.done $0x0  }
0x11: {  	[sflag:s8] =	ssyncadd.s32 $0xFFFFF000  }
0x12: {  	[tilespmem:s10], [sflag:$0x1] =	stream.indirect.gather [hbm4b:s1+s9], $0x80, s3, s9, $0xb8;
	[tilespmem:$0x6500] =	vst v63  }
0x13: {  	_ = 	snop  }
0x14: {  	[tilespmem:s12], [sflag:$0x2] =	stream.indirect.gather [hbm4b:s1+s9], $0x80, s11, s9, $0xb8;
	[tilespmem:$0x6500] =	vst v63  }
0x15: {  	_ = 	snop  }
0x16: {  	[tilespmem:s14], [sflag:$0x3] =	stream.indirect.gather [hbm4b:s1+s9], $0x80, s13, s9, $0xb8;
	[tilespmem:$0x6500] =	vst v63  }
0x17: {  	v17 =	vimm.f32 $0.0e+00;
	s20 =	simm.s32 $0x0;
	s21 =	simm.s32 $0x0  }
0x18: {  	v18 =	vimm.f32 $0.0e+00;
	v19 =	vimm.f32 $0.0e+00;
	v20 =	vimm.f32 $0.0e+00;
	[tilespmem:s16], [sflag:$0x4] =	stream.indirect.gather [hbm4b:s1+s9], $0x80, s15, s9, $0xb8;
	[tilespmem:$0x6500] =	vst v63  }
.LBB2_2:
0x19: {  	s22 =	sand.u32 $0x3, s21  }
0x1a: {  	p0 =	sgt.s32 s22, $0x1  }
.Ltmp0:
0x1b: {  	_ = 	snop;
	(pc) =	sbr.rel @p0 .LBB2_4-.Ltmp0, $1  }
0x1c: {  	_ =	sdelay $0x3  }
.Ltmp1:
0x1d: {  	(pc) =	sbr.rel .LBB2_7-.Ltmp1, $4  }
0x1e: {  	p3 =	seq.s32 s22, $0x0;
	p0 =	por $0x0, $0x0  }
0x1f: {  	p2 =	por $0x0, $0x0;
	p1 =	por $0x0, $0x0;
	s23 =	simm.s32 @!p3 $0x2  }
0x20: {  	p4 =	por @!p3 $0x1, $0x1;
	p5 =	por @!p3 $0x0, $0x0;
	s23 =	simm.s32 @p3 $0x1  }
0x21: {  	p0 =	por @!p3 p5, p5;
	p2 =	por @!p3 p4, p4;
	p1 =	por @!p3 p5, p5  }
.LBB2_4:
0x22: {  	p0 =	seq.s32 s22, $0x3  }
.Ltmp2:
0x23: {  	_ = 	snop;
	(pc) =	sbr.rel @!p0 .LBB2_5-.Ltmp2, $1  }
0x24: {  	_ =	sdelay $0x3  }
.Ltmp3:
0x25: {  	(pc) =	sbr.rel .LBB2_7-.Ltmp3, $3  }
0x26: {  	_ =	sdelay $0x1  }
0x27: {  	p2 =	por $0x0, $0x0  }
0x28: {  	p0 =	por $0x1, $0x1;
	s23 =	simm.s32 $0x4;
	p1 =	por $0x0, $0x0  }
.LBB2_5:
0x29: {  	p1 =	por $0x1, $0x1  }
0x2a: {  	p0 =	por $0x0, $0x0;
	s23 =	simm.s32 $0x3;
	p2 =	por $0x0, $0x0  }
.LBB2_7:
0x2b: {  	_ =	swait.ge [sflag:s23], $0x1480;
	s24 =	smul.u32 $0x5200, s22  }
0x2c: {  	[sflag:s23] =	ssyncset.done $0x0  }
0x2d: {  	[sflag:s23] =	ssyncadd.s32 $0xFFFFEB80;
	s25 =	sshrl.u32 s24, $0x2  }
0x2e: {  	s26 =	sand.u32 $0x3, s20;
	v27 =	vld [tilespmem:s25+$0x1000]  }
0x2f: {  	s24 =	smul.u32 $0x5200, s26;
	v28 =	vld [tilespmem:s25+$0x1010]  }
0x30: {  	v26 =	vld [tilespmem:s25+$0x1020]  }
0x31: {  	v25 =	vld [tilespmem:s25+$0x1030];
	s24 =	sshrl.u32 s24, $0x2  }
0x32: {  	v24 =	vld [tilespmem:s25+$0x1040];
	s24 =	sadd.s32 $0x1040, s24  }
0x33: {  	v29 =	vld [tilespmem:s24+$0xFFFFFFC0]  }
0x34: {  	v30 =	vld [tilespmem:s24+$0xFFFFFFD0]  }
0x35: {  	v23 =	vld [tilespmem:s25+$0x1050]  }
0x36: {  	v31 =	vld [tilespmem:s24+$0xFFFFFFE0]  }
0x37: {  	v22 =	vld [tilespmem:s25+$0x1060]  }
0x38: {  	v32 =	vld [tilespmem:s24+$0xFFFFFFF0]  }
0x39: {  	v21 =	vld [tilespmem:s25+$0x1070];
	v29 =	vmul.f32 v29, v27;
	v30 =	vmul.f32 v30, v28  }
0x3a: {  	v33 =	vld [tilespmem:s24+$0x0]  }
0x3b: {  	v42 =	vld [tilespmem:s24+$0x20];
	v29 =	vadd.f32 v30, v29;
	v30 =	vmul.f32 v31, v26  }
0x3c: {  	s31 =	sadd.s32 $0x80, s24;
	v31 =	vld [tilespmem:s24+$0x10]  }
0x3d: {  	v35 =	vld [tilespmem:s31+$0xFFFFFFD0];
	v29 =	vadd.f32 v30, v29;
	v30 =	vmul.f32 v32, v25  }
0x3e: {  	v34 =	vld [tilespmem:s31+$0xFFFFFFC0]  }
0x3f: {  	v36 =	vld [tilespmem:s31+$0xFFFFFFE0];
	v29 =	vadd.f32 v30, v29;
	v30 =	vmul.f32 v33, v24  }
0x40: {  	v43 =	vld [tilespmem:s24+$0x30]  }
0x41: {  	v44 =	vld [tilespmem:s31+$0xFFFFFFF0];
	v29 =	vadd.f32 v30, v29;
	v30 =	vmul.f32 v31, v23  }
0x42: {  	v37 =	vld [tilespmem:s31+$0x0];
	v35 =	vmul.f32 v35, v28  }
0x43: {  	v48 =	vld [tilespmem:s31+$0x10];
	v31 =	vmul.f32 v34, v27;
	v29 =	vadd.f32 v30, v29;
	v30 =	vmul.f32 v42, v22  }
0x44: {  	s2 =	sadd.s32 $0x80, s31;
	v49 =	vld [tilespmem:s31+$0x20];
	v46 =	vmul.f32 v36, v26  }
0x45: {  	v45 =	vld [tilespmem:s2+$0xFFFFFFC0];
	v31 =	vadd.f32 v35, v31;
	v29 =	vadd.f32 v30, v29;
	v30 =	vmul.f32 v43, v21  }
0x46: {  	v47 =	vld [tilespmem:s2+$0xFFFFFFD0]  }
0x47: {  	v51 =	vld [tilespmem:s31+$0x30];
	v34 =	vmul.f32 v44, v25;
	v31 =	vadd.f32 v46, v31;
	v29 =	vadd.f32 v30, v29  }
0x48: {  	v30 =	vld [tilespmem:s2+$0xFFFFFFE0]  }
0x49: {  	v53 =	vld [tilespmem:s2+$0x0];
	v50 =	vmul.f32 v37, v24;
	v31 =	vadd.f32 v34, v31;
	(xrf2) =	vadd.scan.msk.f32 $0xffff, v29  }
0x4a: {  	v52 =	vmul.f32 v48, v23;
	v29 =	vld [tilespmem:s2+$0xFFFFFFF0]  }
0x4b: {  	v54 =	vld [tilespmem:s2+$0x10];
	v32 =	vmul.f32 v45, v27;
	v33 =	vmul.f32 v47, v28;
	v31 =	vadd.f32 v50, v31  }
0x4c: {  	vm3 =	vmmov vm0;
	s26 =	sadd.s32 $0x80, s2;
	v59 =	vld [tilespmem:s2+$0x20];
	v55 =	vmul.f32 v49, v22  }
0x4d: {  	p3 =	por $0x1, $0x1;
	v38 =	vld [tilespmem:s26+$0xFFFFFFD0];
	v32 =	vadd.f32 v33, v32;
	v31 =	vadd.f32 v52, v31;
	v30 =	vmul.f32 v30, v26  }
0x4e: {  	vm4 =	vmmov vm0;
	vm3 =	vmneg @p3 vm3;
	s31 =	simm.s32 $0x0;
	v56 =	vld [tilespmem:s26+$0xFFFFFFC0];
	v58 =	vmul.f32 v51, v21  }
0x4f: {  	p3 =	por $0x0, $0x0;
	s25 =	sand.u32 $0xF, s31;
	v39 =	vld [tilespmem:s26+$0xFFFFFFE0];
	v31 =	vadd.f32 v55, v31;
	v30 =	vadd.f32 v30, v32;
	v57 =	vmul.f32 v29, v25  }
0x50: {  	vm6 =	vmmov vm0;
	vm4 =	vmneg @p3 vm4;
	s23 =	sand.u32 $0x30, s31;
	v61 =	vmov s25;
	v40 =	vld [tilespmem:s26+$0xFFFFFFF0]  }
0x51: {  	v62 =	vld [tilespmem:s2+$0x30];
	p3 =	seq.s32 s23, $0x10;
	v60 =	vmul.f32 v53, v24;
	v31 =	vadd.f32 v58, v31;
	v30 =	vadd.f32 v57, v30  }
0x52: {  	vm5 =	veq.s32 v61, v0;
	vm6 =	vmneg @p3 vm6;
	v38 =	vmul.f32 v38, v28  }
0x53: {  	v33 =	vmul.f32 v54, v23;
	v35 =	vmul.f32 v56, v27;
	v30 =	vadd.f32 v60, v30;
	v63, _, _ =	vpop (xrf2);
	(xrf2) =	vadd.scan.msk.f32 $0xffff, v31  }
0x54: {  	s29 =	sadd.s32 $0x80, s26;
	vm4 =	vmand vm4, vm5;
	v37 =	vmul.f32 v59, v22;
	v39 =	vmul.f32 v39, v26  }
0x55: {  	v36 =	vld [tilespmem:s29+$0xFFFFFFD0];
	v40 =	vmul.f32 v40, v25;
	v42 =	vadd.f32 v38, v35;
	v41 =	vadd.f32 v33, v30  }
0x56: {  	vm3 =	vmand vm3, vm5;
	v38 =	vmul.f32 v62, v21;
	v34 =	vld [tilespmem:s26+$0x0];
	v32 =	vbroadcast v63, $0xF  }
0x57: {  	s28 =	simm.s32 $0x1;
	s30 =	simm.s32 $0x5;
	v35 =	vld [tilespmem:s29+$0xFFFFFFC0];
	v39 =	vadd.f32 v39, v42;
	v29 =	vimm.f32 $0.0e+00;
	v37 =	vadd.f32 v37, v41  }
0x58: {  	s23 =	simm.s32 $0x2;
	s25 =	simm.s32 $0x3;
	s24 =	simm.s32 $0x4;
	v31 =	vimm.f32 $0.0e+00;
	v33 =	vld [tilespmem:s26+$0x10];
	v30 =	vsel vm4, v32, v29;
	vm4 =	vmand vm5, vm6  }
.LBB2_8:
0x59: {  	v37 =	vadd.f32 v38, v37;
	v29 =	vsel vm3, v32, v29;
	v31 =	vsel vm4, v32, v31  }
0x5a: {  	p3 =	sne.s32 s30, $0x28;
	v41 =	vld [tilespmem:s26+$0x20];
	p4 =	slt.u32 s28, $0x10;
	s31 =	sand.u32 $0x30, s28;
	vm3 =	vmmov vm0;
	vm4 =	vmmov vm0;
	vm5 =	vmmov vm0  }
0x5b: {  	s2 =	sand.u32 $0xF, s28;
	p5 =	sgt.u32 s28, $0x1F;
	v38 =	vld [tilespmem:s29+$0xFFFFFFE0];
	v43 =	vadd.f32 v40, v39;
	v34 =	vmul.f32 v34, v24;
	vm3 =	vmneg @p4 vm3;
	p4 =	seq.s32 s31, $0x10  }
0x5c: {  	s28 =	smov.u32 s23;
	s23 =	smov.u32 s25;
	vm5 =	vmneg @p5 vm5;
	v39 =	vld [tilespmem:s26+$0x30];
	(xrf2) =	vadd.scan.msk.f32 $0xffff, v37;
	v37 =	vmov s2;
	vm4 =	vmneg @p4 vm4;
	s26 =	smov.u32 s29  }
0x5d: {  	s25 =	smov.u32 s24;
	s24 =	smov.u32 s30;
	v33 =	vmul.f32 v33, v23;
	v35 =	vmul.f32 v35, v27;
	v40 =	vld [tilespmem:s29+$0xFFFFFFF0];
	v42 =	vadd.f32 v34, v43;
	v32, _, _ =	vpop (xrf2)  }
.Ltmp4:
0x5e: {  	vm6 =	veq.s32 v37, v0;
	v36 =	vmul.f32 v36, v28;
	v32 =	vbroadcast v32, $0xF;
	(pc) =	sbr.rel @p3 .LBB2_8-.Ltmp4, $4  }
0x5f: {  	vm5 =	vmand vm5, vm6;
	v34 =	vld [tilespmem:s29+$0x0];
	v37 =	vadd.f32 v33, v42;
	v41 =	vmul.f32 v41, v22  }
0x60: {  	s29 =	sadd.s32 $0x80, s29;
	v42 =	vadd.f32 v36, v35;
	v43 =	vmul.f32 v38, v26;
	v33 =	vld [tilespmem:s26+$0x10];
	v30 =	vsel vm5, v32, v30  }
0x61: {  	vm3 =	vmand vm3, vm6;
	v35 =	vld [tilespmem:s29+$0xFFFFFFC0];
	v37 =	vadd.f32 v41, v37;
	v38 =	vmul.f32 v39, v21  }
0x62: {  	s30 =	sadd.s32 $0x1, s30;
	vm4 =	vmand vm6, vm4;
	v36 =	vld [tilespmem:s29+$0xFFFFFFD0];
	v39 =	vadd.f32 v43, v42;
	v40 =	vmul.f32 v40, v25  }
0x63: {  	_ = 	snop  }
0x64: {  	v41 =	vld [tilespmem:s29+$0xFFFFFFE0]  }
0x65: {  	v61 =	vld [tilespmem:s26+$0x20]  }
0x66: {  	v42 =	vld [tilespmem:s29+$0xFFFFFFF0];
	v62 =	vadd.f32 v40, v39;
	v34 =	vmul.f32 v34, v24  }
0x67: {  	v43 =	vld [tilespmem:s26+$0x30];
	v27 =	vmul.f32 v35, v27;
	v28 =	vmul.f32 v36, v28  }
0x68: {  	v63 =	vld [tilespmem:s29+$0x0];
	v33 =	vmul.f32 v33, v23;
	v34 =	vadd.f32 v34, v62  }
0x69: {  	v48 =	vadd.f32 v38, v37;
	v26 =	vmul.f32 v41, v26;
	v27 =	vadd.f32 v28, v27  }
0x6a: {  	v44 =	vld [tilespmem:s29+$0x10];
	v45 =	vadd.f32 v33, v34;
	v46 =	vmul.f32 v61, v22  }
0x6b: {  	(xrf2) =	vadd.scan.msk.f32 $0xffff, v48;
	v25 =	vmul.f32 v42, v25;
	v26 =	vadd.f32 v26, v27  }
0x6c: {  	v47 =	vld [tilespmem:s29+$0x20];
	v28 =	vmul.f32 v43, v21;
	v50 =	vadd.f32 v46, v45  }
0x6d: {  	v49 =	vmul.f32 v63, v24;
	v25 =	vadd.f32 v25, v26  }
0x6e: {  	v51 =	vld [tilespmem:s29+$0x30];
	v52 =	vadd.f32 v28, v50  }
0x6f: {  	v23 =	vmul.f32 v44, v23;
	v24 =	vadd.f32 v49, v25  }
0x70: {  	v53 =	vsel vm4, v32, v31;
	vm4 =	vmmov vm0;
	(xrf2) =	vadd.scan.msk.f32 $0xffff, v52  }
0x71: {  	s2 =	sand.u32 $0xF, s28;
	p4 =	slt.u32 s28, $0x10;
	vm5 =	vmmov vm0;
	s30 =	sand.u32 $0xF, s23;
	v22 =	vmul.f32 v47, v22;
	v23 =	vadd.f32 v23, v24  }
0x72: {  	v54 =	vmov s2;
	vm4 =	vmneg @p4 vm4;
	v56 =	vmov s30  }
0x73: {  	vm6 =	veq.s32 v54, v0;
	v21 =	vmul.f32 v51, v21;
	v22 =	vadd.f32 v22, v23  }
0x74: {  	s29 =	sand.u32 $0x30, s28;
	p3 =	sgt.u32 s28, $0x1F;
	vm9 =	veq.s32 v56, v0;
	v55, _, _ =	vpop (xrf2);
	v23 =	vsel vm3, v32, v29;
	vm3 =	vmmov vm0  }
0x75: {  	v57, _, _ =	vpop (xrf2);
	vm3 =	vmneg @p3 vm3;
	p3 =	seq.s32 s29, $0x10;
	v21 =	vadd.f32 v21, v22;
	v22 =	vbroadcast v55, $0xF  }
0x76: {  	v58 =	vbroadcast v57, $0xF;
	vm5 =	vmneg @p3 vm5;
	vm3 =	vmand vm3, vm6  }
0x77: {  	vm8 =	vmand vm6, vm5;
	(xrf2) =	vadd.scan.msk.f32 $0xffff, v21;
	v21 =	vsel vm3, v22, v30;
	vm3 =	vmand vm4, vm6  }
0x78: {  	p3 =	sgt.u32 s23, $0x1F;
	vm5 =	vmmov vm0;
	v23 =	vsel vm3, v22, v23;
	vm3 =	vmmov vm0  }
0x79: {  	s31 =	sand.u32 $0x30, s23;
	p4 =	slt.u32 s23, $0x10;
	vm4 =	vmmov vm0;
	vm6 =	vmmov vm0;
	vm3 =	vmneg @p3 vm3  }
0x7a: {  	v22 =	vsel vm8, v22, v53;
	vm4 =	vmneg @p4 vm4;
	v59, _, _ =	vpop (xrf2);
	p3 =	seq.s32 s31, $0x10;
	vm3 =	vmand vm3, vm9  }
0x7b: {  	s26 =	sshll.u32 s21, $0x7;
	s23 =	sand.u32 $0xF, s25;
	v24 =	vbroadcast v59, $0xF;
	vm5 =	vmneg @p3 vm5;
	v25 =	vsel vm3, v58, v21  }
0x7c: {  	vm3 =	vmand vm4, vm9;
	vm10 =	vmand vm9, vm5;
	v21 =	vmov s23;
	s23 =	sand.u32 $0x3FFFFF80, s26  }
0x7d: {  	p3 =	sgt.u32 s25, $0x1F;
	v23 =	vsel vm3, v58, v23;
	vm3 =	vmmov vm0;
	vm11 =	veq.s32 v21, v0;
	v21 =	vld [tilespmem:s23+$0x0]  }
0x7e: {  	s28 =	sand.u32 $0x30, s25;
	p4 =	slt.u32 s25, $0x10;
	vm4 =	vmmov vm0;
	vm5 =	vmmov vm0;
	vm3 =	vmneg @p3 vm3  }
0x7f: {  	v22 =	vsel vm10, v58, v22;
	vm4 =	vmneg @p4 vm4;
	p3 =	seq.s32 s28, $0x10;
	vm3 =	vmand vm3, vm11  }
0x80: {  	vm5 =	vmneg @p3 vm5;
	v25 =	vsel vm3, v24, v25;
	vm3 =	vmand vm4, vm11  }
0x81: {  	vm12 =	vmand vm11, vm5;
	vm4 =	vmmov vm0;
	v60 =	vsel vm3, v24, v23  }
0x82: {  	s29 =	sand.u32 $0xF, s24;
	v23 =	vsel vm12, v24, v22;
	v62 =	vperm.xlane v21, v1;
	v63 =	vperm.xlane v21, v2  }
0x83: {  	v22 =	vmov s29;
	v35 =	vperm.xlane v21, v3;
	v38 =	vperm.xlane v21, v4  }
0x84: {  	p4 =	slt.u32 s24, $0x10;
	vm3 =	vmmov vm0;
	v40 =	vperm.xlane v21, v5;
	v43 =	vperm.xlane v21, v6  }
0x85: {  	p3 =	sgt.u32 s24, $0x1F;
	vm4 =	vmneg @p4 vm4;
	v45 =	vperm.xlane v21, v7;
	v47 =	vperm.xlane v21, v8  }
0x86: {  	s30 =	sand.u32 $0x30, s24;
	vm3 =	vmneg @p3 vm3;
	v51 =	vperm.xlane v21, v9;
	v53 =	vperm.xlane v21, v10  }
0x87: {  	v61, _, _ =	vpop (xrf2);
	vm13 =	veq.s32 v22, v0;
	p3 =	seq.s32 s30, $0x10;
	v55 =	vperm.xlane v21, v11;
	v59 =	vperm.xlane v21, v12  }
0x88: {  	v26 =	vbroadcast v61, $0xF;
	vm3 =	vmand vm3, vm13;
	vm6 =	vmneg @p3 vm6  }
0x89: {  	v24 =	vld [tilespmem:s23+$0x10];
	vm4 =	vmand vm4, vm13;
	v61 =	vperm.xlane v21, v13;
	vm14 =	veq.s32 v21, v62  }
0x8a: {  	vm15 =	veq.s32 v21, v63;
	vm10 =	veq.s32 v21, v35;
	vm12 =	veq.s32 v21, v38  }
0x8b: {  	v25 =	vsel vm3, v26, v25;
	vm3 =	vmand vm13, vm6;
	v22 =	vsel vm4, v26, v60  }
0x8c: {  	v33 =	vsel vm14, $0x1, v1;
	v34 =	vsel vm15, $0x1, v1;
	v39 =	vsel vm10, $0x1, v1  }
0x8d: {  	v41 =	vsel vm12, $0x1, v1;
	vm14 =	veq.s32 v21, v40;
	vm10 =	veq.s32 v21, v45  }
0x8e: {  	vm12 =	veq.s32 v21, v47;
	vm8 =	veq.s32 v24, v62;
	v27 =	vadd.s32 v33, v34  }
0x8f: {  	vm9 =	veq.s32 v24, v63;
	vm11 =	veq.s32 v24, v35;
	vm13 =	veq.s32 v24, v38  }
0x90: {  	v42 =	vsel vm14, $0x1, v1;
	vm15 =	veq.s32 v24, v40;
	v48 =	vsel vm10, $0x1, v1  }
0x91: {  	v50 =	vsel vm12, $0x1, v1;
	vm14 =	veq.s32 v21, v51;
	vm10 =	veq.s32 v21, v55  }
0x92: {  	vm12 =	veq.s32 v21, v59;
	v63 =	vperm.xlane v21, v14;
	v38 =	vperm.xlane v21, v16  }
0x93: {  	v40 =	vperm.xlane v24, v1;
	v23 =	vsel vm3, v26, v23;
	v36 =	vsel vm8, $0x1, v1  }
0x94: {  	v37 =	vsel vm9, $0x1, v1;
	v30 =	vsel vm11, $0x1, v1;
	v27 =	vadd.s32 v39, v27  }
0x95: {  	v29 =	vsel vm13, $0x1, v1;
	v44 =	vsel vm15, $0x1, v1;
	vm8 =	veq.s32 v21, v43  }
0x96: {  	vm9 =	veq.s32 v24, v43;
	vm11 =	veq.s32 v24, v45;
	vm13 =	veq.s32 v24, v47  }
0x97: {  	v54 =	vsel vm14, $0x1, v1;
	vm15 =	veq.s32 v24, v51;
	v58 =	vsel vm10, $0x1, v1  }
0x98: {  	v62 =	vsel vm12, $0x1, v1;
	vm14 =	veq.s32 v21, v61;
	v28 =	vadd.s32 v36, v37  }
0x99: {  	v27 =	vadd.s32 v41, v27;
	v46 =	vsel vm8, $0x1, v1;
	v31 =	vsel vm9, $0x1, v1  }
0x9a: {  	v49 =	vsel vm11, $0x1, v1;
	v52 =	vsel vm13, $0x1, v1;
	vm8 =	veq.s32 v21, v53  }
0x9b: {  	vm9 =	veq.s32 v24, v53;
	vm11 =	veq.s32 v24, v55;
	vm13 =	veq.s32 v24, v59  }
0x9c: {  	v33 =	vsel vm14, $0x1, v1;
	v36 =	vperm.xlane v21, v15;
	vm12 =	veq.s32 v21, v38  }
0x9d: {  	vm14 =	veq.s32 v21, v40;
	v53 =	vperm.xlane v24, v5;
	v28 =	vadd.s32 v30, v28  }
0x9e: {  	v27 =	vadd.s32 v42, v27;
	v56 =	vsel vm8, $0x1, v1;
	v57 =	vsel vm9, $0x1, v1  }
0x9f: {  	v60 =	vsel vm11, $0x1, v1;
	vm8 =	veq.s32 v21, v63;
	vm9 =	veq.s32 v24, v63  }
0xa0: {  	v41 =	vsel vm12, $0x1, v1;
	v43 =	vsel vm14, $0x1, v1;
	v28 =	vadd.s32 v29, v28  }
0xa1: {  	v27 =	vadd.s32 v46, v27;
	v35 =	vsel vm8, $0x1, v1;
	v37 =	vsel vm9, $0x1, v1  }
0xa2: {  	vm10 =	veq.s32 v21, v36;
	vm11 =	veq.s32 v24, v36;
	v46 =	vperm.xlane v24, v3  }
0xa3: {  	vm3 =	veq.s32 v21, v53;
	vm14 =	veq.s32 v24, v53;
	v28 =	vadd.s32 v44, v28  }
0xa4: {  	v27 =	vadd.s32 v48, v27;
	v39 =	vsel vm10, $0x1, v1;
	v44 =	vperm.xlane v24, v2  }
0xa5: {  	v28 =	vadd.s32 v31, v28;
	v27 =	vadd.s32 v50, v27;
	v31 =	vsel vm15, $0x1, v1  }
0xa6: {  	vm15 =	veq.s32 v24, v61;
	vm10 =	veq.s32 v21, v46;
	v50 =	vperm.xlane v24, v4  }
0xa7: {  	v28 =	vadd.s32 v49, v28;
	v27 =	vadd.s32 v54, v27;
	v34 =	vsel vm15, $0x1, v1  }
0xa8: {  	vm15 =	veq.s32 v24, v40;
	vm8 =	veq.s32 v21, v44;
	vm9 =	veq.s32 v24, v44  }
0xa9: {  	v49 =	vsel vm10, $0x1, v1;
	v28 =	vadd.s32 v52, v28;
	v27 =	vadd.s32 v56, v27  }
0xaa: {  	v45 =	vsel vm15, $0x1, v1;
	v47 =	vsel vm8, $0x1, v1;
	v48 =	vsel vm9, $0x1, v1  }
0xab: {  	vm12 =	veq.s32 v21, v50;
	v21 =	vmul.f32 $1.442695020e+00, v22;
	v28 =	vadd.s32 v31, v28  }
0xac: {  	v56 =	vsel vm3, $0x1, v1;
	v27 =	vadd.s32 v58, v27;
	v28 =	vadd.s32 v57, v28  }
0xad: {  	v31 =	vsel vm13, $0x1, v1;
	vm13 =	veq.s32 v24, v38;
	v28 =	vadd.s32 v60, v28  }
0xae: {  	v52 =	vsel vm12, $0x1, v1;
	v58 =	vmul.f32 $1.442695020e+00, v23;
	v28 =	vadd.s32 v31, v28  }
0xaf: {  	v27 =	vadd.s32 v62, v27;
	v42 =	vsel vm13, $0x1, v1;
	v28 =	vadd.s32 v34, v28  }
0xb0: {  	v27 =	vadd.s32 v33, v27;
	v31 =	vsel vm11, $0x1, v1;
	v28 =	vadd.s32 v37, v28  }
0xb1: {  	vm13 =	veq.s32 v24, v50;
	v27 =	vadd.s32 v35, v27;
	v28 =	vadd.s32 v31, v28  }
0xb2: {  	v57 =	vsel vm14, $0x1, v1;
	v27 =	vadd.s32 v39, v27;
	v28 =	vadd.s32 v42, v28  }
0xb3: {  	vm11 =	veq.s32 v24, v46;
	v27 =	vadd.s32 v41, v27;
	v28 =	vadd.s32 v45, v28  }
0xb4: {  	v51 =	vsel vm11, $0x1, v1;
	v27 =	vadd.s32 v43, v27;
	v28 =	vadd.s32 v48, v28  }
0xb5: {  	v30 =	vsel vm13, $0x1, v1;
	v27 =	vadd.s32 v47, v27;
	v28 =	vadd.s32 v51, v28  }
0xb6: {  	(erf) = vpow2.f32 v21;
	v27 =	vadd.s32 v49, v27;
	v55 =	vadd.s32 v30, v28  }
0xb7: {  	v21 =	vmul.f32 $1.442695020e+00, v25;
	v54 =	vadd.s32 v52, v27;
	v27 =	vadd.s32 v57, v55  }
0xb8: {  	(erf) = vpow2.f32 v58;
	v24 =	vadd.s32 v56, v54;
	v59 =	vcvt.s32.f32 v27  }
0xb9: {  	(erf) = vpow2.f32 v21;
	v21 =	vcvt.s32.f32 v24  }
0xba: {  	(erf) = vrcp.f32 v59  }
0xbb: {  	(erf) = vrcp.f32 v21;
	_ =	sdelay $0x4  }
0xbc: {  	v21 =	vpop (erf)  }
0xbd: {  	v60 =	vpop (erf)  }
0xbe: {  	v61 =	vpop (erf)  }
0xbf: {  	v62 =	vpop (erf)  }
0xc0: {  	v63 =	vpop (erf)  }
0xc1: {  	v21 =	vmul.f32 v63, v21  }
0xc2: {  	v26 =	vnsel vm1, $0x3F800000, v62  }
0xc3: {  	(xrf2) =	vadd.scan.msk.f32 $0xffff, v21;
	v21 =	vmul.f32 v26, v60;
	_ =	sdelay $0x1  }
0xc4: {  	(xrf2) =	vadd.scan.msk.f32 $0xffff, v21;
	_ =	sdelay $0x3  }
0xc5: {  	vm3 =	veq.s32 v0, $0x0;
	v21 =	vnsel vm2, $0x0, v61  }
0xc6: {  	(xrf2) =	vadd.scan.msk.f32 $0xffff, v21;
	v21 =	vsel vm3, $0x0, v22;
	_ =	sdelay $0x1  }
0xc7: {  	v22 =	vnsel vm1, $0x0, v23;
	(xrf2) =	vadd.scan.msk.f32 $0xffff, v21  }
0xc8: {  	v21, _, _ =	vpop (xrf2);
	(xrf2) =	vadd.scan.msk.f32 $0xffff, v22;
	_ =	sdelay $0x1  }
0xc9: {  	(v2sf) =	vpush v21, $0xF;
	v21, _, _ =	vpop (xrf2)  }
0xca: {  	(v2sf) =	vpush v21, $0xF;
	_ =	sdelay $0x4  }
0xcb: {  	v21, _, _ =	vpop (xrf2)  }
0xcc: {  	(v2sf) =	vpush v21, $0xF;
	v21, _, _ =	vpop (xrf2)  }
0xcd: {  	p3 =	sgt.u32 s21, $0x1B;
	(v2sf) =	vpush v21, $0xF;
	v21, _, _ =	vpop (xrf2)  }
0xce: {  	p2 =	por !p2, !p2;
	p1 =	por !p1, !p1;
	p4 =	sne.s32 @!p3 s22, $0x0;
	(v2sf) =	vpush v21, $0xF  }
0xcf: {  	p0 =	por !p0, !p0;
	p2 =	por p3, p2;
	p4 =	por p4, p3  }
0xd0: {  	s22 =	sadd.s32 @!p4 $0x200, s23;
	s24 =	simm.s32 @!p4 $0x29;
	s25 =	simm.s32 @!p4 $0x1000  }
0xd1: {  	[tilespmem:s25], [sflag:$0x1] =	stream.indirect.gather @!p4 [hbm4b:s1+s24], $0x80, s22, s24, $0xb8;
	[tilespmem:$0x6500] =	vst v63  }
0xd2: {  	s22 =	sadd.s32 @!p2 $0x200, s23;
	s24 =	simm.s32 @!p2 $0x29;
	s25 =	simm.s32 @!p2 $0x2480  }
0xd3: {  	[tilespmem:s25], [sflag:$0x2] =	stream.indirect.gather @!p2 [hbm4b:s1+s24], $0x80, s22, s24, $0xb8;
	[tilespmem:$0x6500] =	vst v63  }
0xd4: {  	p1 =	por p3, p1;
	p0 =	por p3, p0;
	s31 =	spop (v2sf)  }
0xd5: {  	s22 =	sadd.s32 @!p1 $0x200, s23;
	s25 =	simm.s32 @!p1 $0x29;
	s26 =	spop (v2sf)  }
0xd6: {  	p2 =	sgt.u32 s21, $0xF;
	s2 =	sadd.f32 s26, s31;
	s26 =	simm.s32 @!p1 $0x3900  }
0xd7: {  	[tilespmem:s26], [sflag:$0x3] =	stream.indirect.gather @!p1 [hbm4b:s1+s25], $0x80, s22, s25, $0xb8;
	[tilespmem:$0x6500] =	vst v63  }
0xd8: {  	s23 =	sadd.s32 @!p0 $0x200, s23;
	s31 =	sand.u32 $0xF, s21;
	p1 =	slt.u32 s21, $0x10  }
0xd9: {  	s25 =	simm.s32 @!p0 $0x29;
	s26 =	simm.s32 @!p0 $0x4D80;
	s21 =	sadd.s32 $0x1, s21  }
0xda: {  	[tilespmem:s26], [sflag:$0x4] =	stream.indirect.gather @!p0 [hbm4b:s1+s25], $0x80, s23, s25, $0xb8;
	[tilespmem:$0x6500] =	vst v63  }
0xdb: {  	s28 =	spop (v2sf);
	p0 =	sne.s32 s21, $0x20  }
.Ltmp5:
0xdc: {  	vm3 =	vmmov vm0;
	s29 =	spop (v2sf);
	v21 =	vmov s31;
	(pc) =	sbr.rel @p0 .LBB2_2-.Ltmp5, $4  }
0xdd: {  	vm5 =	vmmov vm0;
	s2 =	sadd.f32 s2, s28;
	vm15 =	veq.s32 v21, v0;
	vm3 =	vmneg @p1 vm3;
	s30 =	spop (v2sf)  }
0xde: {  	vm5 =	vmneg @p2 vm5;
	vm3 =	vmand vm3, vm15;
	s22 =	sadd.f32 s30, s29  }
0xdf: {  	vm4 =	vmand vm5, vm15;
	v20 =	vsel vm3, s2, v20  }
0xe0: {  	s20 =	sadd.s32 $0x1, s20;
	v19 =	vsel vm4, s2, v19;
	v18 =	vsel vm3, s22, v18;
	v17 =	vsel vm4, s22, v17  }
0xe1: {  	[tilespmem:$0x6400] =	vst v20  }
0xe2: {  	[tilespmem:$0x6410] =	vst v19  }
0xe3: {  	[tilespmem:$0x6480] =	vst v18  }
0xe4: {  	[tilespmem:$0x6490] =	vst v17  }
0xe5: {  	[hbm4b:s5+s3] =	stream.linear.scatter [tilespmem:s17], [sflag:$0x5], $0x20, $0x38;
	[tilespmem:$0x6500] =	vst v63  }
0xe6: {  	s19 =	sadd.s32 $0x1, s19;
	_ =	swait.ge [sflag:s8], $0x20  }
0xe7: {  	p0 =	sne.s32 s19, s7;
	[sflag:s8] =	ssyncset.done $0x0  }
.Ltmp6:
0xe8: {  	[sflag:s8] =	ssyncadd.s32 $0xFFFFFFE0;
	(pc) =	sbr.rel @p0 .LBB2_1-.Ltmp6, $4  }
0xe9: {  	[hbm4b:s6+s3] =	stream.linear.scatter [tilespmem:s18], [sflag:$0x5], $0x20, $0x38;
	[tilespmem:$0x6500] =	vst v63  }
0xea: {  	_ =	swait.ge [sflag:s8], $0x20  }
0xeb: {  	[sflag:s8] =	ssyncset.done $0x0  }
0xec: {  	[sflag:s8] =	ssyncadd.s32 $0xFFFFFFE0  }
0xed: {  	_ =	sfence.sel $0x180000  }
0xee: {  	[bflag:$0x0] =	sbarrier.arrive $0xFFFF  }
0xef: {  	_ =	strace $0x90000047  }
0xf0: {  	[bflag:$0x2] =	sbarrier.arrive $0xFFFF  }
0xf1: {  	p0 =	sne.s32 s0, $0x0;
	s0 =	rddreg [dreg:$0x4]  }
0xf2: {  	s0 =	sadd.s32 @!p0 $0x100000, s0  }
0xf3: {  	[sflag:s0] =	ssyncadd.tile.s32 @!p0 $0x1;
	_ =	shalt  }
.Lfunc_end2:
_tile_overlayer_lowered:
.L_overlay_start_2:
0xf4: {  	(tag) =	ssettag $0x2  }
0xf5: {  	s0 =	rddreg [dreg:$0x0];
	s2 =	stileid.u32  }
0xf6: {  	s1 =	rddreg [dreg:$0x1];
	p0 =	sne.s32 s2, $0x0  }
0xf7: {  	s3 =	rddreg [dreg:$0x2];
	[bflag:$0x3] =	sbarrier.arrive $0xFFFF;
	s2 =	simm.s32 @!p0 $0x1C05  }
0xf8: {  	[timem:s3], [sflag:s2] =	dma.local @!p0 [hbm:s0], s1  }
0xf9: {  	s0 =	simm.s32 @!p0 $0x5  }
0xfa: {  	_ =	swait.ge @!p0 [sflag:s0], s1  }
0xfb: {  	s1 =	ssub.s32 @!p0 $0x0, s1;
	[sflag:s0] =	ssyncset.done @!p0 $0x0  }
0xfc: {  	[sflag:s0] =	ssyncadd.s32 @!p0 s1  }
0xfd: {  	[bflag:$0x3] =	sbarrier.arrive $0xFFFF  }
0xfe: {  	_ =	shalt  }

</sc_bundles>
